<compile_context>
chip_gen: v7x
topology: tpu7x:2x2x1
jax: 0.10.2.dev20260603
libtpu: 0.0.44.dev20260713+nightly
codegen_flags: <defaults>
</compile_context>

<pallas_src>
import jax
import jax.numpy as jnp
from jax import lax
from jax.experimental import pallas as pl
from jax.experimental.pallas import tpu as pltpu
from jax.experimental.pallas import tpu_sc as plsc

L = 16
NC, NS = 2, 16
NW = NC * NS
ROWS = 256
BEAM = 4
RPW = ROWS // NW
V = 100000
NV = V // L
K = 64
NBINS = 4096
CAP = 256
CAP_SAFE = CAP - L
EQCAP = 64
MININT_PY = -(2**31)


def _mono(b):
    m = jnp.int32(MININT_PY)
    return jnp.where(b >= 0, b, jnp.bitwise_xor(jnp.bitwise_not(b), m))


def _inv(key):
    m = jnp.int32(MININT_PY)
    return jnp.where(key >= 0, key, jnp.bitwise_not(jnp.bitwise_xor(key, m)))


def _scal(v):
    return jnp.max(v)


def _store1(ref, idx, val, lanes):
    plsc.store_scatter(ref, (jnp.broadcast_to(idx, (L,)),),
                       jnp.broadcast_to(val, (L,)), mask=(lanes == 0))


def _load1(ref, idx):
    return jnp.max(plsc.load_gather(ref, (jnp.broadcast_to(idx, (L,)),)))


def _body(lp_hbm, g_hbm, sv_hbm, outs_hbm, outi_hbm,
          data, hist, ckeys, cpos, ekeys, epos, skeys, spos,
          gbuf, svbuf, obuf_s, obuf_i, sem0, sem1):
    wid = lax.axis_index("c") * NS + lax.axis_index("s")
    base_row = wid * RPW
    lanes = lax.iota(jnp.int32, L)
    ones = jnp.ones((L,), jnp.int32)
    zeros = jnp.zeros((L,), jnp.int32)
    minvec = jnp.full((L,), MININT_PY, jnp.int32)

    pltpu.sync_copy(sv_hbm.at[pl.ds(base_row, RPW)], svbuf)
    pltpu.async_copy(lp_hbm.at[base_row // BEAM, base_row % BEAM], data, sem0)

    def row_body(r, _):
        row = base_row + r
        pltpu.sync_copy(g_hbm.at[pl.ds(row * K, K)], gbuf)
        pltpu.make_async_copy(lp_hbm.at[row // BEAM, row % BEAM], data,
                              sem0).wait()

        def clear(nch):
            def cb(i):
                hist[pl.ds(i * L, L)] = zeros
            plsc.parallel_loop(0, nch, 1, unroll=8)(cb)

        def find_bin(c0, nch):
            def wcond(st):
                j, c, cprev = st
                return (c < 64) & (j >= 0)

            def wbody(st):
                j, c, cprev = st
                h = hist[pl.ds(j * L, L)]
                return (j - 1, c + jnp.sum(h), c)

            j, c, cprev = lax.while_loop(
                wcond, wbody, (jnp.int32(nch - 1), c0, c0))
            chunk = j + 1
            h = hist[pl.ds(chunk * L, L)]
            rc = lax.rev(plsc.cumsum(lax.rev(h, (0,))), (0,))
            cum_ge = cprev + rc
            cnt = jnp.sum((cum_ge >= 64).astype(jnp.int32))
            b_lane = cnt - 1
            n_b = jnp.sum(jnp.where(lanes == b_lane, h, 0))
            cg = jnp.sum(jnp.where(lanes == b_lane, cum_ge, 0))
            return chunk * L + b_lane, cg - n_b, n_b

        def run_level0(st):
            pval, c_above, done = st
            clear(NBINS // L)

            def hb(i):
                bv = lax.bitcast_convert_type(data[pl.ds(i * L, L)], jnp.int32)
                u = bv >> 20
                bucket = jnp.where(bv >= 0, u, u ^ 0x7FF) + 2048
                plsc.addupdate_scatter(hist, (bucket,), ones)
            plsc.parallel_loop(0, NV, 1, unroll=16)(hb)
            b, c_above, n_b = find_bin(jnp.int32(0), NBINS // L)
            pval = (b - 2048) << 20
            done = (c_above + n_b) <= CAP_SAFE
            return (pval, c_above, done)

        def run_refine(st):
            pval, c_above, done, lvl = st
            clear(NBINS // L)
            psh = jnp.where(lvl == 1, 20, 8)
            bsh = jnp.where(lvl == 1, 8, 0)
            pref = pval >> psh

            def hb(i):
                key = _mono(lax.bitcast_convert_type(data[pl.ds(i * L, L)],
                                                     jnp.int32))
                inp = (key >> psh) == pref
                bucket = (key >> bsh) & 0xFFF
                plsc.addupdate_scatter(hist, (bucket,), ones, mask=inp)
            plsc.parallel_loop(0, NV, 1, unroll=16)(hb)
            b, c_above, n_b = find_bin(c_above, NBINS // L)
            pval = pval | (b << bsh)
            done = (c_above + n_b) <= CAP_SAFE
            return (pval, c_above, done, lvl + 1)

        st0 = (jnp.int32(0), jnp.int32(0), jnp.bool_(False))
        st0 = run_level0(st0)
        st = (st0[0], st0[1], st0[2], jnp.int32(1))
        st = lax.while_loop(lambda q: (~q[2]) & (q[3] <= 2), run_refine, st)
        pval, c_above, done, _lvl = st

        def collect_a(_):
            def cb(i, off):
                key = _mono(lax.bitcast_convert_type(data[pl.ds(i * L, L)],
                                                     jnp.int32))
                m = key >= pval
                offc = jnp.minimum(off[0], CAP - L)
                plsc.store_compressed(cpos.at[pl.ds(offc, L)], i * L + lanes,
                                      mask=m)
                return off + plsc.all_reduce_population_count(m)
            off = plsc.parallel_loop(0, NV, 1, unroll=8,
                                     carry=jnp.zeros((L,), jnp.int32))(cb)
            return off[0]

        def collect_b(_):
            def cb(i, st2):
                offa, offb = st2
                key = _mono(lax.bitcast_convert_type(data[pl.ds(i * L, L)],
                                                     jnp.int32))
                mg = key > pval
                me = key == pval
                oa = jnp.minimum(offa, 80)
                ob = jnp.minimum(offb, EQCAP)
                plsc.store_compressed(ckeys.at[pl.ds(oa, L)], key, mask=mg)
                plsc.store_compressed(cpos.at[pl.ds(oa, L)], i * L + lanes,
                                      mask=mg)
                plsc.store_compressed(ekeys.at[pl.ds(ob, L)], key, mask=me)
                plsc.store_compressed(epos.at[pl.ds(ob, L)], i * L + lanes,
                                      mask=me)
                return (offa + jnp.sum(mg.astype(jnp.int32)),
                        offb + jnp.sum(me.astype(jnp.int32)))
            offa, offb = lax.fori_loop(0, NV, cb,
                                       (jnp.int32(0), jnp.int32(0)))
            nb_eq = jnp.minimum(offb, jnp.int32(EQCAP))

            def ab(c, _):
                ke = ekeys[pl.ds(c * L, L)]
                pe = epos[pl.ds(c * L, L)]
                valid = (c * L + lanes) < nb_eq
                ckeys[pl.ds(offa + c * L, L)] = jnp.where(valid, ke, minvec)
                cpos[pl.ds(offa + c * L, L)] = pe
                return 0
            lax.fori_loop(0, EQCAP // L, ab, 0)
            return offa + nb_eq

        m_cnt = lax.cond(done, collect_a, collect_b, 0)

        def kg(c):
            valid = (c * L + lanes) < m_cnt
            pos_c = cpos[pl.ds(c * L, L)]
            kv = plsc.load_gather(data, (pos_c,), mask=valid)
            key_c = _mono(lax.bitcast_convert_type(kv, jnp.int32))
            ckeys[pl.ds(c * L, L)] = jnp.where(valid, key_c, minvec)
        plsc.parallel_loop(0, CAP // L, 1, unroll=4)(kg)

        nrow = jnp.minimum(row + 1, base_row + RPW - 1)
        pltpu.async_copy(lp_hbm.at[nrow // BEAM, nrow % BEAM], data, sem0)

        def bmax(c, cm):
            m = jnp.max(ckeys[pl.ds(c * L, L)])
            return jnp.where(lanes == c, m, cm)
        CM = lax.fori_loop(0, CAP // L, bmax, minvec)

        def sel(t, cm):
            gmax = jnp.max(cm)
            csp = plsc.all_reduce_ffs(cm == gmax)
            ck = plsc.load_gather(ckeys, (csp * L + lanes,))
            lsp = plsc.all_reduce_ffs(ck == gmax)
            sel_idx = csp * L + lsp
            pos = plsc.load_gather(cpos, (sel_idx,))
            _store1(skeys, t, gmax, lanes)
            _store1(spos, t, pos, lanes)
            plsc.store_scatter(ckeys, (sel_idx,), minvec, mask=(lanes == 0))
            ck2 = jnp.where(lanes == lsp, minvec, ck)
            return jnp.where(lanes == csp, jnp.max(ck2), cm)
        lax.fori_loop(0, K, sel, CM)

        sv0 = _inv(skeys[pl.ds(0, L)])
        sv1 = _inv(skeys[pl.ds(L, L)])
        sv2 = _inv(skeys[pl.ds(2 * L, L)])
        sv3 = _inv(skeys[pl.ds(3 * L, L)])
        s0 = lax.bitcast_convert_type(sv0, jnp.float32) + gbuf[pl.ds(0, L)]
        s1 = lax.bitcast_convert_type(sv1, jnp.float32) + gbuf[pl.ds(L, L)]
        s2 = lax.bitcast_convert_type(sv2, jnp.float32) + gbuf[pl.ds(2 * L, L)]
        s3 = lax.bitcast_convert_type(sv3, jnp.float32) + gbuf[pl.ds(3 * L, L)]
        m0, m1, m2, m3 = (jnp.max(s0), jnp.max(s1), jnp.max(s2), jnp.max(s3))
        gm = jnp.maximum(jnp.maximum(m0, m1), jnp.maximum(m2, m3))
        csel = jnp.where(m0 == gm, 0,
                         jnp.where(m1 == gm, 1, jnp.where(m2 == gm, 2, 3)))
        skc = skeys[pl.ds(csel * L, L)]
        scq = lax.bitcast_convert_type(_inv(skc), jnp.float32) + gbuf[pl.ds(csel * L, L)]
        lsel = _scal(plsc.all_reduce_ffs(scq == gm))
        val = jnp.sum(jnp.where(lanes == lsel,
                                lax.bitcast_convert_type(_inv(skc), jnp.float32), 0.0))
        vid = jnp.sum(jnp.where(lanes == lsel, spos[pl.ds(csel * L, L)], 0))
        _store1(obuf_s, r, val + _load1(svbuf, r), lanes)
        _store1(obuf_i, r, vid, lanes)
        return 0

    lax.fori_loop(0, RPW, row_body, 0)
    pltpu.make_async_copy(
        lp_hbm.at[base_row // BEAM, base_row % BEAM], data, sem0).wait()
    pltpu.sync_copy(obuf_s, outs_hbm.at[pl.ds(base_row, RPW)])
    pltpu.sync_copy(obuf_i, outi_hbm.at[pl.ds(base_row, RPW)])


def kernel(step, lprobs, scores):
    bsz, beam, vocab = lprobs.shape
    g = jax.random.gumbel(jax.random.key(42), (bsz * beam, K),
                          jnp.float32).reshape(-1)
    sv = lax.dynamic_index_in_dim(scores, step - 1, axis=2,
                                  keepdims=False).reshape(-1)

    mesh = plsc.VectorSubcoreMesh(core_axis_name="c", subcore_axis_name="s",
                                  num_cores=NC, num_subcores=NS)
    out_s, out_i = pl.kernel(
        _body,
        out_type=(jax.ShapeDtypeStruct((ROWS,), jnp.float32),
                  jax.ShapeDtypeStruct((ROWS,), jnp.int32)),
        mesh=mesh,
        compiler_params=pltpu.CompilerParams(needs_layout_passes=False),
        scratch_types=[
            pltpu.VMEM((V,), jnp.float32),
            pltpu.VMEM((NBINS,), jnp.int32),
            pltpu.VMEM((CAP,), jnp.int32),
            pltpu.VMEM((CAP,), jnp.int32),
            pltpu.VMEM((96,), jnp.int32),
            pltpu.VMEM((96,), jnp.int32),
            pltpu.VMEM((K,), jnp.int32),
            pltpu.VMEM((K,), jnp.int32),
            pltpu.VMEM((K,), jnp.float32),
            pltpu.VMEM((RPW,), jnp.float32),
            pltpu.VMEM((RPW,), jnp.float32),
            pltpu.VMEM((RPW,), jnp.int32),
            pltpu.SemaphoreType.DMA,
            pltpu.SemaphoreType.DMA,
        ],
    )(lprobs, g, sv)

    scores_buf = out_s.reshape(bsz, beam)
    indices_buf = out_i.reshape(bsz, beam)
    beams_buf = jnp.broadcast_to(jnp.arange(beam, dtype=jnp.int32),
                                 (bsz, beam))
    return scores_buf, indices_buf, beams_buf

# --- scband reference (transcript-rebuilt; emitter-appended) ---
"""Pipeline reference for scband-sampling-73744588472777 (READ-ONLY COPY).

The authoritative reference and input builder live on the scoring server;
editing this copy changes nothing except your own understanding.
"""

import jax, jax.numpy as jnp
import numpy as np

SAMPLING_TOPK = 64
BSZ = 64
BEAM = 4
VOCAB = 100000


def setup_inputs(seed: int = 0) -> dict:
    key = jax.random.key(seed)
    k1, k2 = jax.random.split(key)
    lprobs = jax.random.normal(k1, (BSZ, BEAM, VOCAB), dtype=jnp.float32)
    scores = jax.random.normal(k2, (BSZ, BEAM, 1), dtype=jnp.float32)
    return {"step": 1, "lprobs": lprobs, "scores": scores}


def reference(step, lprobs, scores):
    # Faithful JAX translation of fairseq Sampling.step with sampling_topk>0,
    # no rescoring (rescore path requires external scorer models).
    bsz, beam_size, vocab_size = lprobs.shape
    # top-k truncation of the distribution
    top_lprobs, top_indices = jax.lax.top_k(lprobs, SAMPLING_TOPK)
    probs = jnp.exp(top_lprobs)  # unnormalized probs over the top-k slate
    key = jax.random.key(42)
    flat_logits = top_lprobs.reshape(bsz * beam_size, -1)
    sampled = jax.random.categorical(key, flat_logits, axis=-1)
    indices_buf = sampled.reshape(bsz, beam_size)
    probs_full = probs
    # gather chosen (unnormalized) probabilities and take log, as torch does
    scores_buf = jnp.take_along_axis(probs_full, indices_buf[..., None], axis=2).squeeze(2)
    scores_buf = jnp.log(scores_buf).reshape(bsz, -1)
    # remap slate-local sample ids back to full vocabulary ids
    top_idx_full = top_indices
    indices_buf = jnp.take_along_axis(top_idx_full, indices_buf[..., None], axis=2).squeeze(2)
    beams_buf = jnp.tile(jnp.arange(beam_size, dtype=jnp.int32), (bsz, 1))
    # accumulate historical scores of the parent hypotheses
    scores_buf = scores_buf + jnp.take_along_axis(scores[:, :, step - 1], beams_buf, axis=1)
    return scores_buf, indices_buf, beams_buf

if __name__ == "__main__":
    import jax
    _d = setup_inputs()
    print(jax.jit(kernel)(*tuple(_d.values())))

</pallas_src>

<mosaic_0001>
#map = affine_map<(d0, d1) -> (0, 0, 0)>
#map1 = affine_map<(d0, d1) -> (0)>
module attributes {stable_mosaic.version = 14 : i64} {
  func.func @_body(%arg0: i32, %arg1: i32, %arg2: memref<64x4x100000xf32, #tpu.memory_space<hbm>>, %arg3: memref<16384xf32, #tpu.memory_space<hbm>>, %arg4: memref<256xf32, #tpu.memory_space<hbm>>, %arg5: memref<256xf32, #tpu.memory_space<hbm>>, %arg6: memref<256xi32, #tpu.memory_space<hbm>>, %arg7: memref<100000xf32, #tpu.memory_space<vmem>>, %arg8: memref<4096xi32, #tpu.memory_space<vmem>>, %arg9: memref<256xi32, #tpu.memory_space<vmem>>, %arg10: memref<256xi32, #tpu.memory_space<vmem>>, %arg11: memref<96xi32, #tpu.memory_space<vmem>>, %arg12: memref<96xi32, #tpu.memory_space<vmem>>, %arg13: memref<64xi32, #tpu.memory_space<vmem>>, %arg14: memref<64xi32, #tpu.memory_space<vmem>>, %arg15: memref<64xf32, #tpu.memory_space<vmem>>, %arg16: memref<8xf32, #tpu.memory_space<vmem>>, %arg17: memref<8xf32, #tpu.memory_space<vmem>>, %arg18: memref<8xi32, #tpu.memory_space<vmem>>, %arg19: memref<!tpu.dma_semaphore, #tpu.memory_space<semaphore_mem>>, %arg20: memref<!tpu.dma_semaphore, #tpu.memory_space<semaphore_mem>>) attributes {dimension_semantics = [#tpu.dimension_semantics<core_parallel>, #tpu.dimension_semantics<subcore_parallel>], iteration_bounds = array<i64: 2, 16>, scalar_prefetch = 0 : i64, scratch_operands = 14 : i64, tpu.core_type = #tpu.core_type<sc_vector_subcore>, window_params = [{transform_indices = #map}, {transform_indices = #map1}, {transform_indices = #map1}, {transform_indices = #map1}, {transform_indices = #map1}]} {
    %mul3A = arith.constant 16 : i32
    %mul3A_0 = arith.muli %arg0, %mul3A : i32
    %add3A = arith.addi %mul3A_0, %arg1 : i32
    %mul3A_1 = arith.constant 8 : i32
    %mul3A_2 = arith.muli %add3A, %mul3A_1 : i32
    %iota3A = tpu.iota {dimensions = array<i32: 0>} : vector<16xi32>
    %broadcast_in_dim3A = arith.constant 1 : i32
    %broadcast_in_dim3A_3 = vector.broadcast %broadcast_in_dim3A : i32 to vector<16xi32>
    %broadcast_in_dim3A_4 = arith.constant 0 : i32
    %broadcast_in_dim3A_5 = vector.broadcast %broadcast_in_dim3A_4 : i32 to vector<16xi32>
    %broadcast_in_dim3A_6 = arith.constant -2147483648 : i32
    %broadcast_in_dim3A_7 = vector.broadcast %broadcast_in_dim3A_6 : i32 to vector<16xi32>
    "tpu.region"() ({
      %run_scoped3A = tpu.sem_alloc : memref<!tpu.dma_semaphore, #tpu.memory_space<semaphore_mem>>
      %dma_start3A_94 = tpu.memref_slice %arg4[%mul3A_2] : memref<256xf32, #tpu.memory_space<hbm>> -> memref<8xf32, #tpu.memory_space<hbm>>
      %dma_start3A_95 = tpu.memref_slice %arg4[%mul3A_2] : memref<256xf32, #tpu.memory_space<hbm>> -> memref<8xf32, #tpu.memory_space<hbm>>
      tpu.enqueue_dma source(%dma_start3A_95 : memref<8xf32, #tpu.memory_space<hbm>>) target(%arg16 : memref<8xf32, #tpu.memory_space<vmem>>) target_semaphore(%run_scoped3A : memref<!tpu.dma_semaphore, #tpu.memory_space<semaphore_mem>>)
      %dma_wait3A_96 = tpu.memref_slice %arg4[%mul3A_2] : memref<256xf32, #tpu.memory_space<hbm>> -> memref<8xf32, #tpu.memory_space<hbm>>
      %dma_wait3A_97 = tpu.memref_slice %arg4[%mul3A_2] : memref<256xf32, #tpu.memory_space<hbm>> -> memref<8xf32, #tpu.memory_space<hbm>>
      tpu.wait_dma2 semaphore(%run_scoped3A : memref<!tpu.dma_semaphore, #tpu.memory_space<semaphore_mem>>) src(%dma_wait3A_97 : memref<8xf32, #tpu.memory_space<hbm>>) dst(%arg16 : memref<8xf32, #tpu.memory_space<vmem>>)
      tpu.yield
    }) : () -> ()
    %jit3A = arith.constant 4 : i32
    %div3A = arith.divsi %mul3A_2, %jit3A : i32
    %sign3A = arith.constant 0 : i32
    %sign3A_8 = arith.cmpi sgt, %mul3A_2, %sign3A : i32
    %sign3A_9 = arith.extui %sign3A_8 : i1 to i32
    %sign3A_10 = arith.constant 0 : i32
    %sign3A_11 = arith.cmpi slt, %mul3A_2, %sign3A_10 : i32
    %sign3A_12 = arith.extui %sign3A_11 : i1 to i32
    %sign3A_13 = arith.subi %sign3A_9, %sign3A_12 : i32
    %sign3A_14 = arith.constant 0 : i32
    %sign3A_15 = arith.cmpi sgt, %jit3A, %sign3A_14 : i32
    %sign3A_16 = arith.extui %sign3A_15 : i1 to i32
    %sign3A_17 = arith.constant 0 : i32
    %sign3A_18 = arith.cmpi slt, %jit3A, %sign3A_17 : i32
    %sign3A_19 = arith.extui %sign3A_18 : i1 to i32
    %sign3A_20 = arith.subi %sign3A_16, %sign3A_19 : i32
    %ne3A = arith.cmpi ne, %sign3A_13, %sign3A_20 : i32
    %rem3A = arith.remsi %mul3A_2, %jit3A : i32
    %ne3A_21 = arith.constant 0 : i32
    %ne3A_22 = arith.cmpi ne, %rem3A, %ne3A_21 : i32
    %and3A = arith.andi %ne3A, %ne3A_22 : i1
    %sub3A = arith.constant 1 : i32
    %sub3A_23 = arith.subi %div3A, %sub3A : i32
    %select_n3A = arith.select %and3A, %sub3A_23, %div3A : i32
    %jit3A_24 = arith.constant 4 : i32
    %eq3A = arith.constant 0 : i32
    %eq3A_25 = arith.cmpi eq, %jit3A_24, %eq3A : i32
    %jit3A_26 = arith.constant 1 : i32
    %select_n3A_27 = arith.select %eq3A_25, %jit3A_26, %jit3A_24 : i32
    %rem3A_28 = arith.remsi %mul3A_2, %select_n3A_27 : i32
    %ne3A_29 = arith.constant 0 : i32
    %ne3A_30 = arith.cmpi ne, %rem3A_28, %ne3A_29 : i32
    %lt3A = arith.constant 0 : i32
    %lt3A_31 = arith.cmpi slt, %rem3A_28, %lt3A : i32
    %lt3A_32 = arith.constant 0 : i32
    %lt3A_33 = arith.cmpi slt, %select_n3A_27, %lt3A_32 : i32
    %ne3A_34 = arith.xori %lt3A_31, %lt3A_33 : i1
    %and3A_35 = arith.andi %ne3A_34, %ne3A_30 : i1
    %add3A_36 = arith.addi %rem3A_28, %select_n3A_27 : i32
    %select_n3A_37 = arith.select %and3A_35, %add3A_36, %rem3A_28 : i32
    %dma_start3A = arith.constant 0 : i32
    %dma_start3A_38 = tpu.memref_slice %arg2[%select_n3A, %select_n3A_37, %dma_start3A] : memref<64x4x100000xf32, #tpu.memory_space<hbm>> -> memref<1x1x100000xf32, #tpu.memory_space<hbm>>
    %dma_start3A_39 = tpu.memref_squeeze %dma_start3A_38 : memref<1x1x100000xf32, #tpu.memory_space<hbm>> -> memref<100000xf32, #tpu.memory_space<hbm>>
    %dma_start3A_40 = arith.constant 0 : i32
    %dma_start3A_41 = tpu.memref_slice %arg2[%select_n3A, %select_n3A_37, %dma_start3A_40] : memref<64x4x100000xf32, #tpu.memory_space<hbm>> -> memref<1x1x100000xf32, #tpu.memory_space<hbm>>
    %dma_start3A_42 = tpu.memref_squeeze %dma_start3A_41 : memref<1x1x100000xf32, #tpu.memory_space<hbm>> -> memref<100000xf32, #tpu.memory_space<hbm>>
    tpu.enqueue_dma source(%dma_start3A_42 : memref<100000xf32, #tpu.memory_space<hbm>>) target(%arg7 : memref<100000xf32, #tpu.memory_space<vmem>>) target_semaphore(%arg19 : memref<!tpu.dma_semaphore, #tpu.memory_space<semaphore_mem>>)
    %scan3A = arith.constant 0 : i32
    %scan3A_43 = arith.constant 0 : i32
    %scan3A_44 = arith.constant 8 : i32
    %scan3A_45 = arith.addi %scan3A_43, %scan3A_44 : i32
    %scan3A_46 = arith.constant 1 : i32
    %scan3A_47 = scf.for %scan3A_94 = %scan3A_43 to %scan3A_45 step %scan3A_46 iter_args(%scan3A_95 = %scan3A) -> (i32)  : i32 {
      %add3A_96 = arith.addi %mul3A_2, %scan3A_94 : i32
      %mul3A_97 = arith.constant 64 : i32
      %mul3A_98 = arith.muli %add3A_96, %mul3A_97 : i32
      "tpu.region"() ({
        %run_scoped3A = tpu.sem_alloc : memref<!tpu.dma_semaphore, #tpu.memory_space<semaphore_mem>>
        %dma_start3A_440 = tpu.memref_slice %arg3[%mul3A_98] : memref<16384xf32, #tpu.memory_space<hbm>> -> memref<64xf32, #tpu.memory_space<hbm>>
        %dma_start3A_441 = tpu.memref_slice %arg3[%mul3A_98] : memref<16384xf32, #tpu.memory_space<hbm>> -> memref<64xf32, #tpu.memory_space<hbm>>
        tpu.enqueue_dma source(%dma_start3A_441 : memref<64xf32, #tpu.memory_space<hbm>>) target(%arg15 : memref<64xf32, #tpu.memory_space<vmem>>) target_semaphore(%run_scoped3A : memref<!tpu.dma_semaphore, #tpu.memory_space<semaphore_mem>>)
        %dma_wait3A_442 = tpu.memref_slice %arg3[%mul3A_98] : memref<16384xf32, #tpu.memory_space<hbm>> -> memref<64xf32, #tpu.memory_space<hbm>>
        %dma_wait3A_443 = tpu.memref_slice %arg3[%mul3A_98] : memref<16384xf32, #tpu.memory_space<hbm>> -> memref<64xf32, #tpu.memory_space<hbm>>
        tpu.wait_dma2 semaphore(%run_scoped3A : memref<!tpu.dma_semaphore, #tpu.memory_space<semaphore_mem>>) src(%dma_wait3A_443 : memref<64xf32, #tpu.memory_space<hbm>>) dst(%arg15 : memref<64xf32, #tpu.memory_space<vmem>>)
        tpu.yield
      }) : () -> ()
      %jit3A_99 = arith.constant 4 : i32
      %div3A_100 = arith.divsi %add3A_96, %jit3A_99 : i32
      %sign3A_101 = arith.constant 0 : i32
      %sign3A_102 = arith.cmpi sgt, %add3A_96, %sign3A_101 : i32
      %sign3A_103 = arith.extui %sign3A_102 : i1 to i32
      %sign3A_104 = arith.constant 0 : i32
      %sign3A_105 = arith.cmpi slt, %add3A_96, %sign3A_104 : i32
      %sign3A_106 = arith.extui %sign3A_105 : i1 to i32
      %sign3A_107 = arith.subi %sign3A_103, %sign3A_106 : i32
      %sign3A_108 = arith.constant 0 : i32
      %sign3A_109 = arith.cmpi sgt, %jit3A_99, %sign3A_108 : i32
      %sign3A_110 = arith.extui %sign3A_109 : i1 to i32
      %sign3A_111 = arith.constant 0 : i32
      %sign3A_112 = arith.cmpi slt, %jit3A_99, %sign3A_111 : i32
      %sign3A_113 = arith.extui %sign3A_112 : i1 to i32
      %sign3A_114 = arith.subi %sign3A_110, %sign3A_113 : i32
      %ne3A_115 = arith.cmpi ne, %sign3A_107, %sign3A_114 : i32
      %rem3A_116 = arith.remsi %add3A_96, %jit3A_99 : i32
      %ne3A_117 = arith.constant 0 : i32
      %ne3A_118 = arith.cmpi ne, %rem3A_116, %ne3A_117 : i32
      %and3A_119 = arith.andi %ne3A_115, %ne3A_118 : i1
      %sub3A_120 = arith.constant 1 : i32
      %sub3A_121 = arith.subi %div3A_100, %sub3A_120 : i32
      %select_n3A_122 = arith.select %and3A_119, %sub3A_121, %div3A_100 : i32
      %jit3A_123 = arith.constant 4 : i32
      %eq3A_124 = arith.constant 0 : i32
      %eq3A_125 = arith.cmpi eq, %jit3A_123, %eq3A_124 : i32
      %jit3A_126 = arith.constant 1 : i32
      %select_n3A_127 = arith.select %eq3A_125, %jit3A_126, %jit3A_123 : i32
      %rem3A_128 = arith.remsi %add3A_96, %select_n3A_127 : i32
      %ne3A_129 = arith.constant 0 : i32
      %ne3A_130 = arith.cmpi ne, %rem3A_128, %ne3A_129 : i32
      %lt3A_131 = arith.constant 0 : i32
      %lt3A_132 = arith.cmpi slt, %rem3A_128, %lt3A_131 : i32
      %lt3A_133 = arith.constant 0 : i32
      %lt3A_134 = arith.cmpi slt, %select_n3A_127, %lt3A_133 : i32
      %ne3A_135 = arith.xori %lt3A_132, %lt3A_134 : i1
      %and3A_136 = arith.andi %ne3A_135, %ne3A_130 : i1
      %add3A_137 = arith.addi %rem3A_128, %select_n3A_127 : i32
      %select_n3A_138 = arith.select %and3A_136, %add3A_137, %rem3A_128 : i32
      %dma_wait3A_139 = arith.constant 0 : i32
      %dma_wait3A_140 = tpu.memref_slice %arg2[%select_n3A_122, %select_n3A_138, %dma_wait3A_139] : memref<64x4x100000xf32, #tpu.memory_space<hbm>> -> memref<1x1x100000xf32, #tpu.memory_space<hbm>>
      %dma_wait3A_141 = tpu.memref_squeeze %dma_wait3A_140 : memref<1x1x100000xf32, #tpu.memory_space<hbm>> -> memref<100000xf32, #tpu.memory_space<hbm>>
      %dma_wait3A_142 = arith.constant 0 : i32
      %dma_wait3A_143 = tpu.memref_slice %arg2[%select_n3A_122, %select_n3A_138, %dma_wait3A_142] : memref<64x4x100000xf32, #tpu.memory_space<hbm>> -> memref<1x1x100000xf32, #tpu.memory_space<hbm>>
      %dma_wait3A_144 = tpu.memref_squeeze %dma_wait3A_143 : memref<1x1x100000xf32, #tpu.memory_space<hbm>> -> memref<100000xf32, #tpu.memory_space<hbm>>
      tpu.wait_dma2 semaphore(%arg19 : memref<!tpu.dma_semaphore, #tpu.memory_space<semaphore_mem>>) src(%dma_wait3A_144 : memref<100000xf32, #tpu.memory_space<hbm>>) dst(%arg7 : memref<100000xf32, #tpu.memory_space<vmem>>)
      %parallel_loop3A = arith.constant 0 : i32
      %parallel_loop3A_145 = arith.constant 256 : i32
      %parallel_loop3A_146 = arith.constant 1 : i32
      scf.for %parallel_loop3A_440 = %parallel_loop3A to %parallel_loop3A_145 step %parallel_loop3A_146  : i32 {
        %parallel_loop3A_441 = arith.constant 16 : i32
        %parallel_loop3A_442 = arith.muli %parallel_loop3A_440, %parallel_loop3A_441 : i32
        %parallel_loop3A_443 = arith.index_cast %parallel_loop3A_442 : i32 to index
        %parallel_loop3A_444 = tpu.vector_load %arg8[%parallel_loop3A_443] {strides = array<i32>} : memref<4096xi32, #tpu.memory_space<vmem>>, vector<16xi32>,
        tpu.vector_store %arg8[%parallel_loop3A_443], %broadcast_in_dim3A_5 {strides = array<i32>} : memref<4096xi32, #tpu.memory_space<vmem>>, vector<16xi32>,
      } {sc.loop_unroll_factor = 8 : i64, sc.parallel_access}
      %parallel_loop3A_147 = arith.constant 0 : i32
      %parallel_loop3A_148 = arith.constant 6250 : i32
      %parallel_loop3A_149 = arith.constant 1 : i32
      scf.for %parallel_loop3A_440 = %parallel_loop3A_147 to %parallel_loop3A_148 step %parallel_loop3A_149  : i32 {
        %parallel_loop3A_441 = arith.constant 16 : i32
        %parallel_loop3A_442 = arith.muli %parallel_loop3A_440, %parallel_loop3A_441 : i32
        %parallel_loop3A_443 = arith.index_cast %parallel_loop3A_442 : i32 to index
        %parallel_loop3A_444 = tpu.vector_load %arg7[%parallel_loop3A_443] {strides = array<i32>} : memref<100000xf32, #tpu.memory_space<vmem>>, vector<16xf32>,
        %parallel_loop3A_445 = tpu.bitcast %parallel_loop3A_444 : vector<16xf32> -> vector<16xi32>
        %parallel_loop3A_446 = arith.constant 20 : i32
        %parallel_loop3A_447 = vector.broadcast %parallel_loop3A_446 : i32 to vector<16xi32>
        %parallel_loop3A_448 = arith.shrsi %parallel_loop3A_445, %parallel_loop3A_447 : vector<16xi32>
        %parallel_loop3A_449 = arith.constant 0 : i32
        %parallel_loop3A_450 = vector.broadcast %parallel_loop3A_449 : i32 to vector<16xi32>
        %parallel_loop3A_451 = arith.cmpi sge, %parallel_loop3A_445, %parallel_loop3A_450 : vector<16xi32>
        %parallel_loop3A_452 = arith.constant 2047 : i32
        %parallel_loop3A_453 = vector.broadcast %parallel_loop3A_452 : i32 to vector<16xi32>
        %parallel_loop3A_454 = arith.xori %parallel_loop3A_448, %parallel_loop3A_453 : vector<16xi32>
        %parallel_loop3A_455 = arith.select %parallel_loop3A_451, %parallel_loop3A_448, %parallel_loop3A_454 : vector<16xi1>, vector<16xi32>
        %parallel_loop3A_456 = arith.constant 2048 : i32
        %parallel_loop3A_457 = vector.broadcast %parallel_loop3A_456 : i32 to vector<16xi32>
        %parallel_loop3A_458 = arith.addi %parallel_loop3A_455, %parallel_loop3A_457 : vector<16xi32>
        tpu.vector_store_idx %arg8[%parallel_loop3A_458], %broadcast_in_dim3A_3 {add = true} : memref<4096xi32, #tpu.memory_space<vmem>>[vector<16xi32>], vector<16xi32>,
      } {sc.loop_unroll_factor = 16 : i64, sc.parallel_access}
      %while3A = arith.constant 255 : i32
      %while3A_150 = arith.constant 0 : i32
      %while3A_151 = arith.constant 0 : i32
      %while3A_152:3 = scf.while (%while3A_440 = %while3A, %while3A_441 = %while3A_150, %while3A_442 = %while3A_151) : (i32, i32, i32) -> (i32, i32, i32) {
        %lt3A_443 = arith.constant 64 : i32
        %lt3A_444 = arith.cmpi slt, %while3A_441, %lt3A_443 : i32
        %ge3A_445 = arith.constant 0 : i32
        %ge3A_446 = arith.cmpi sge, %while3A_440, %ge3A_445 : i32
        %and3A_447 = arith.andi %lt3A_444, %ge3A_446 : i1
        scf.condition(%and3A_447) %while3A_440, %while3A_441, %while3A_442 : i32, i32, i32
      } do {
      ^bb0(%while3A_440: i32, %while3A_441: i32, %while3A_442: i32):
        %mul3A_443 = arith.constant 16 : i32
        %mul3A_444 = arith.muli %while3A_440, %mul3A_443 : i32
        %get3A_445 = arith.index_cast %mul3A_444 : i32 to index
        %get3A_446 = tpu.vector_load %arg8[%get3A_445] {strides = array<i32>} : memref<4096xi32, #tpu.memory_space<vmem>>, vector<16xi32>,
        %sub3A_447 = arith.constant 1 : i32
        %sub3A_448 = arith.subi %while3A_440, %sub3A_447 : i32
        %reduce_sum3A_449 = arith.constant true
        %reduce_sum3A_450 = vector.broadcast %reduce_sum3A_449 : i1 to vector<16xi1>
        %reduce_sum3A_451 = tpu.scan <sum>, %get3A_446 masked %reduce_sum3A_450 : vector<16xi32>, vector<16xi1> -> vector<16xi32>
        %reduce_sum3A_452 = vector.extract %reduce_sum3A_451[15] : i32 from vector<16xi32>
        %add3A_453 = arith.addi %while3A_441, %reduce_sum3A_452 : i32
        scf.yield %sub3A_448, %add3A_453, %while3A_441 : i32, i32, i32
      }
      %add3A_153 = arith.constant 1 : i32
      %add3A_154 = arith.addi %while3A_152#0, %add3A_153 : i32
      %mul3A_155 = arith.constant 16 : i32
      %mul3A_156 = arith.muli %add3A_154, %mul3A_155 : i32
      %get3A = arith.index_cast %mul3A_156 : i32 to index
      %get3A_157 = tpu.vector_load %arg8[%get3A] {strides = array<i32>} : memref<4096xi32, #tpu.memory_space<vmem>>, vector<16xi32>,
      %rev3A = arith.constant 15 : i32
      %rev3A_158 = vector.broadcast %rev3A : i32 to vector<16xi32>
      %rev3A_159 = tpu.iota {dimensions = array<i32: 0>} : vector<16xi32>
      %rev3A_160 = arith.subi %rev3A_158, %rev3A_159 : vector<16xi32>
      %rev3A_161 = tpu.dynamic_gather %get3A_157[%rev3A_160] in [0] : vector<16xi32>, vector<16xi32> -> vector<16xi32>
      %broadcast_in_dim3A_162 = arith.constant true
      %broadcast_in_dim3A_163 = vector.broadcast %broadcast_in_dim3A_162 : i1 to vector<16xi1>
      %masked_cumsum3A = tpu.scan <sum>, %rev3A_161 masked %broadcast_in_dim3A_163 : vector<16xi32>, vector<16xi1> -> vector<16xi32>
      %rev3A_164 = arith.constant 15 : i32
      %rev3A_165 = vector.broadcast %rev3A_164 : i32 to vector<16xi32>
      %rev3A_166 = tpu.iota {dimensions = array<i32: 0>} : vector<16xi32>
      %rev3A_167 = arith.subi %rev3A_165, %rev3A_166 : vector<16xi32>
      %rev3A_168 = tpu.dynamic_gather %masked_cumsum3A[%rev3A_167] in [0] : vector<16xi32>, vector<16xi32> -> vector<16xi32>
      %add3A_169 = vector.broadcast %while3A_152#2 : i32 to vector<16xi32>
      %add3A_170 = arith.addi %add3A_169, %rev3A_168 : vector<16xi32>
      %ge3A = arith.constant 64 : i32
      %ge3A_171 = vector.broadcast %ge3A : i32 to vector<16xi32>
      %ge3A_172 = arith.cmpi sge, %add3A_170, %ge3A_171 : vector<16xi32>
      %convert_element_type3A = arith.extui %ge3A_172 : vector<16xi1> to vector<16xi32>
      %reduce_sum3A = arith.constant true
      %reduce_sum3A_173 = vector.broadcast %reduce_sum3A : i1 to vector<16xi1>
      %reduce_sum3A_174 = tpu.scan <sum>, %convert_element_type3A masked %reduce_sum3A_173 : vector<16xi32>, vector<16xi1> -> vector<16xi32>
      %reduce_sum3A_175 = vector.extract %reduce_sum3A_174[15] : i32 from vector<16xi32>
      %sub3A_176 = arith.constant 1 : i32
      %sub3A_177 = arith.subi %reduce_sum3A_175, %sub3A_176 : i32
      %eq3A_178 = vector.broadcast %sub3A_177 : i32 to vector<16xi32>
      %eq3A_179 = arith.cmpi eq, %iota3A, %eq3A_178 : vector<16xi32>
      %jit3A_180 = arith.constant 0 : i32
      %broadcast_in_dim3A_181 = vector.broadcast %jit3A_180 : i32 to vector<16xi32>
      %select_n3A_182 = arith.select %eq3A_179, %get3A_157, %broadcast_in_dim3A_181 : vector<16xi1>, vector<16xi32>
      %reduce_sum3A_183 = arith.constant true
      %reduce_sum3A_184 = vector.broadcast %reduce_sum3A_183 : i1 to vector<16xi1>
      %reduce_sum3A_185 = tpu.scan <sum>, %select_n3A_182 masked %reduce_sum3A_184 : vector<16xi32>, vector<16xi1> -> vector<16xi32>
      %reduce_sum3A_186 = vector.extract %reduce_sum3A_185[15] : i32 from vector<16xi32>
      %eq3A_187 = vector.broadcast %sub3A_177 : i32 to vector<16xi32>
      %eq3A_188 = arith.cmpi eq, %iota3A, %eq3A_187 : vector<16xi32>
      %jit3A_189 = arith.constant 0 : i32
      %broadcast_in_dim3A_190 = vector.broadcast %jit3A_189 : i32 to vector<16xi32>
      %select_n3A_191 = arith.select %eq3A_188, %add3A_170, %broadcast_in_dim3A_190 : vector<16xi1>, vector<16xi32>
      %reduce_sum3A_192 = arith.constant true
      %reduce_sum3A_193 = vector.broadcast %reduce_sum3A_192 : i1 to vector<16xi1>
      %reduce_sum3A_194 = tpu.scan <sum>, %select_n3A_191 masked %reduce_sum3A_193 : vector<16xi32>, vector<16xi1> -> vector<16xi32>
      %reduce_sum3A_195 = vector.extract %reduce_sum3A_194[15] : i32 from vector<16xi32>
      %mul3A_196 = arith.constant 16 : i32
      %mul3A_197 = arith.muli %add3A_154, %mul3A_196 : i32
      %add3A_198 = arith.addi %mul3A_197, %sub3A_177 : i32
      %sub3A_199 = arith.subi %reduce_sum3A_195, %reduce_sum3A_186 : i32
      %sub3A_200 = arith.constant 2048 : i32
      %sub3A_201 = arith.subi %add3A_198, %sub3A_200 : i32
      %shift_left3A = arith.constant 20 : i32
      %shift_left3A_202 = arith.shli %sub3A_201, %shift_left3A : i32
      %add3A_203 = arith.addi %sub3A_199, %reduce_sum3A_186 : i32
      %le3A = arith.constant 240 : i32
      %le3A_204 = arith.cmpi sle, %add3A_203, %le3A : i32
      %while3A_205 = arith.constant 1 : i32
      %while3A_206:4 = scf.while (%while3A_440 = %shift_left3A_202, %while3A_441 = %sub3A_199, %while3A_442 = %le3A_204, %while3A_443 = %while3A_205) : (i32, i32, i1, i32) -> (i32, i32, i1, i32) {
        %not3A_444 = arith.constant true
        %not3A_445 = arith.xori %while3A_442, %not3A_444 : i1
        %le3A_446 = arith.constant 2 : i32
        %le3A_447 = arith.cmpi sle, %while3A_443, %le3A_446 : i32
        %and3A_448 = arith.andi %not3A_445, %le3A_447 : i1
        scf.condition(%and3A_448) %while3A_440, %while3A_441, %while3A_442, %while3A_443 : i32, i32, i1, i32
      } do {
      ^bb0(%while3A_440: i32, %while3A_441: i32, %while3A_442: i1, %while3A_443: i32):
        %parallel_loop3A_444 = arith.constant 0 : i32
        %parallel_loop3A_445 = arith.constant 256 : i32
        %parallel_loop3A_446 = arith.constant 1 : i32
        scf.for %parallel_loop3A_521 = %parallel_loop3A_444 to %parallel_loop3A_445 step %parallel_loop3A_446  : i32 {
          %parallel_loop3A_522 = arith.constant 16 : i32
          %parallel_loop3A_523 = arith.muli %parallel_loop3A_521, %parallel_loop3A_522 : i32
          %parallel_loop3A_524 = arith.index_cast %parallel_loop3A_523 : i32 to index
          %parallel_loop3A_525 = tpu.vector_load %arg8[%parallel_loop3A_524] {strides = array<i32>} : memref<4096xi32, #tpu.memory_space<vmem>>, vector<16xi32>,
          tpu.vector_store %arg8[%parallel_loop3A_524], %broadcast_in_dim3A_5 {strides = array<i32>} : memref<4096xi32, #tpu.memory_space<vmem>>, vector<16xi32>,
        } {sc.loop_unroll_factor = 8 : i64, sc.parallel_access}
        %eq3A_447 = arith.constant 1 : i32
        %eq3A_448 = arith.cmpi eq, %while3A_443, %eq3A_447 : i32
        %jit3A_449 = arith.constant 20 : i32
        %jit3A_450 = arith.constant 8 : i32
        %select_n3A_451 = arith.select %eq3A_448, %jit3A_449, %jit3A_450 : i32
        %eq3A_452 = arith.constant 1 : i32
        %eq3A_453 = arith.cmpi eq, %while3A_443, %eq3A_452 : i32
        %jit3A_454 = arith.constant 8 : i32
        %jit3A_455 = arith.constant 0 : i32
        %select_n3A_456 = arith.select %eq3A_453, %jit3A_454, %jit3A_455 : i32
        %shift_right_arithmetic3A = arith.shrsi %while3A_440, %select_n3A_451 : i32
        %parallel_loop3A_457 = arith.constant 0 : i32
        %parallel_loop3A_458 = arith.constant 6250 : i32
        %parallel_loop3A_459 = arith.constant 1 : i32
        scf.for %parallel_loop3A_521 = %parallel_loop3A_457 to %parallel_loop3A_458 step %parallel_loop3A_459  : i32 {
          %parallel_loop3A_522 = arith.constant 16 : i32
          %parallel_loop3A_523 = arith.muli %parallel_loop3A_521, %parallel_loop3A_522 : i32
          %parallel_loop3A_524 = arith.index_cast %parallel_loop3A_523 : i32 to index
          %parallel_loop3A_525 = tpu.vector_load %arg7[%parallel_loop3A_524] {strides = array<i32>} : memref<100000xf32, #tpu.memory_space<vmem>>, vector<16xf32>,
          %parallel_loop3A_526 = tpu.bitcast %parallel_loop3A_525 : vector<16xf32> -> vector<16xi32>
          %parallel_loop3A_527 = arith.constant 0 : i32
          %parallel_loop3A_528 = vector.broadcast %parallel_loop3A_527 : i32 to vector<16xi32>
          %parallel_loop3A_529 = arith.cmpi sge, %parallel_loop3A_526, %parallel_loop3A_528 : vector<16xi32>
          %parallel_loop3A_530 = arith.constant dense<-1> : vector<16xi32>
          %parallel_loop3A_531 = arith.xori %parallel_loop3A_526, %parallel_loop3A_530 : vector<16xi32>
          %parallel_loop3A_532 = arith.constant -2147483648 : i32
          %parallel_loop3A_533 = vector.broadcast %parallel_loop3A_532 : i32 to vector<16xi32>
          %parallel_loop3A_534 = arith.xori %parallel_loop3A_531, %parallel_loop3A_533 : vector<16xi32>
          %parallel_loop3A_535 = arith.select %parallel_loop3A_529, %parallel_loop3A_526, %parallel_loop3A_534 : vector<16xi1>, vector<16xi32>
          %parallel_loop3A_536 = vector.broadcast %select_n3A_451 : i32 to vector<16xi32>
          %parallel_loop3A_537 = arith.shrsi %parallel_loop3A_535, %parallel_loop3A_536 : vector<16xi32>
          %parallel_loop3A_538 = vector.broadcast %shift_right_arithmetic3A : i32 to vector<16xi32>
          %parallel_loop3A_539 = arith.cmpi eq, %parallel_loop3A_537, %parallel_loop3A_538 : vector<16xi32>
          %parallel_loop3A_540 = vector.broadcast %select_n3A_456 : i32 to vector<16xi32>
          %parallel_loop3A_541 = arith.shrsi %parallel_loop3A_535, %parallel_loop3A_540 : vector<16xi32>
          %parallel_loop3A_542 = arith.constant 4095 : i32
          %parallel_loop3A_543 = vector.broadcast %parallel_loop3A_542 : i32 to vector<16xi32>
          %parallel_loop3A_544 = arith.andi %parallel_loop3A_541, %parallel_loop3A_543 : vector<16xi32>
          tpu.vector_store_idx %arg8[%parallel_loop3A_544], %broadcast_in_dim3A_3 masked %parallel_loop3A_539 {add = true} : memref<4096xi32, #tpu.memory_space<vmem>>[vector<16xi32>], vector<16xi32>, vector<16xi1>
        } {sc.loop_unroll_factor = 16 : i64, sc.parallel_access}
        %while3A_460 = arith.constant 255 : i32
        %while3A_461:3 = scf.while (%while3A_521 = %while3A_460, %while3A_522 = %while3A_441, %while3A_523 = %while3A_441) : (i32, i32, i32) -> (i32, i32, i32) {
          %lt3A_524 = arith.constant 64 : i32
          %lt3A_525 = arith.cmpi slt, %while3A_522, %lt3A_524 : i32
          %ge3A_526 = arith.constant 0 : i32
          %ge3A_527 = arith.cmpi sge, %while3A_521, %ge3A_526 : i32
          %and3A_528 = arith.andi %lt3A_525, %ge3A_527 : i1
          scf.condition(%and3A_528) %while3A_521, %while3A_522, %while3A_523 : i32, i32, i32
        } do {
        ^bb0(%while3A_521: i32, %while3A_522: i32, %while3A_523: i32):
          %mul3A_524 = arith.constant 16 : i32
          %mul3A_525 = arith.muli %while3A_521, %mul3A_524 : i32
          %get3A_526 = arith.index_cast %mul3A_525 : i32 to index
          %get3A_527 = tpu.vector_load %arg8[%get3A_526] {strides = array<i32>} : memref<4096xi32, #tpu.memory_space<vmem>>, vector<16xi32>,
          %sub3A_528 = arith.constant 1 : i32
          %sub3A_529 = arith.subi %while3A_521, %sub3A_528 : i32
          %reduce_sum3A_530 = arith.constant true
          %reduce_sum3A_531 = vector.broadcast %reduce_sum3A_530 : i1 to vector<16xi1>
          %reduce_sum3A_532 = tpu.scan <sum>, %get3A_527 masked %reduce_sum3A_531 : vector<16xi32>, vector<16xi1> -> vector<16xi32>
          %reduce_sum3A_533 = vector.extract %reduce_sum3A_532[15] : i32 from vector<16xi32>
          %add3A_534 = arith.addi %while3A_522, %reduce_sum3A_533 : i32
          scf.yield %sub3A_529, %add3A_534, %while3A_522 : i32, i32, i32
        }
        %add3A_462 = arith.constant 1 : i32
        %add3A_463 = arith.addi %while3A_461#0, %add3A_462 : i32
        %mul3A_464 = arith.constant 16 : i32
        %mul3A_465 = arith.muli %add3A_463, %mul3A_464 : i32
        %get3A_466 = arith.index_cast %mul3A_465 : i32 to index
        %get3A_467 = tpu.vector_load %arg8[%get3A_466] {strides = array<i32>} : memref<4096xi32, #tpu.memory_space<vmem>>, vector<16xi32>,
        %rev3A_468 = arith.constant 15 : i32
        %rev3A_469 = vector.broadcast %rev3A_468 : i32 to vector<16xi32>
        %rev3A_470 = tpu.iota {dimensions = array<i32: 0>} : vector<16xi32>
        %rev3A_471 = arith.subi %rev3A_469, %rev3A_470 : vector<16xi32>
        %rev3A_472 = tpu.dynamic_gather %get3A_467[%rev3A_471] in [0] : vector<16xi32>, vector<16xi32> -> vector<16xi32>
        %broadcast_in_dim3A_473 = arith.constant true
        %broadcast_in_dim3A_474 = vector.broadcast %broadcast_in_dim3A_473 : i1 to vector<16xi1>
        %masked_cumsum3A_475 = tpu.scan <sum>, %rev3A_472 masked %broadcast_in_dim3A_474 : vector<16xi32>, vector<16xi1> -> vector<16xi32>
        %rev3A_476 = arith.constant 15 : i32
        %rev3A_477 = vector.broadcast %rev3A_476 : i32 to vector<16xi32>
        %rev3A_478 = tpu.iota {dimensions = array<i32: 0>} : vector<16xi32>
        %rev3A_479 = arith.subi %rev3A_477, %rev3A_478 : vector<16xi32>
        %rev3A_480 = tpu.dynamic_gather %masked_cumsum3A_475[%rev3A_479] in [0] : vector<16xi32>, vector<16xi32> -> vector<16xi32>
        %add3A_481 = vector.broadcast %while3A_461#2 : i32 to vector<16xi32>
        %add3A_482 = arith.addi %add3A_481, %rev3A_480 : vector<16xi32>
        %ge3A_483 = arith.constant 64 : i32
        %ge3A_484 = vector.broadcast %ge3A_483 : i32 to vector<16xi32>
        %ge3A_485 = arith.cmpi sge, %add3A_482, %ge3A_484 : vector<16xi32>
        %convert_element_type3A_486 = arith.extui %ge3A_485 : vector<16xi1> to vector<16xi32>
        %reduce_sum3A_487 = arith.constant true
        %reduce_sum3A_488 = vector.broadcast %reduce_sum3A_487 : i1 to vector<16xi1>
        %reduce_sum3A_489 = tpu.scan <sum>, %convert_element_type3A_486 masked %reduce_sum3A_488 : vector<16xi32>, vector<16xi1> -> vector<16xi32>
        %reduce_sum3A_490 = vector.extract %reduce_sum3A_489[15] : i32 from vector<16xi32>
        %sub3A_491 = arith.constant 1 : i32
        %sub3A_492 = arith.subi %reduce_sum3A_490, %sub3A_491 : i32
        %eq3A_493 = vector.broadcast %sub3A_492 : i32 to vector<16xi32>
        %eq3A_494 = arith.cmpi eq, %iota3A, %eq3A_493 : vector<16xi32>
        %jit3A_495 = arith.constant 0 : i32
        %broadcast_in_dim3A_496 = vector.broadcast %jit3A_495 : i32 to vector<16xi32>
        %select_n3A_497 = arith.select %eq3A_494, %get3A_467, %broadcast_in_dim3A_496 : vector<16xi1>, vector<16xi32>
        %reduce_sum3A_498 = arith.constant true
        %reduce_sum3A_499 = vector.broadcast %reduce_sum3A_498 : i1 to vector<16xi1>
        %reduce_sum3A_500 = tpu.scan <sum>, %select_n3A_497 masked %reduce_sum3A_499 : vector<16xi32>, vector<16xi1> -> vector<16xi32>
        %reduce_sum3A_501 = vector.extract %reduce_sum3A_500[15] : i32 from vector<16xi32>
        %eq3A_502 = vector.broadcast %sub3A_492 : i32 to vector<16xi32>
        %eq3A_503 = arith.cmpi eq, %iota3A, %eq3A_502 : vector<16xi32>
        %jit3A_504 = arith.constant 0 : i32
        %broadcast_in_dim3A_505 = vector.broadcast %jit3A_504 : i32 to vector<16xi32>
        %select_n3A_506 = arith.select %eq3A_503, %add3A_482, %broadcast_in_dim3A_505 : vector<16xi1>, vector<16xi32>
        %reduce_sum3A_507 = arith.constant true
        %reduce_sum3A_508 = vector.broadcast %reduce_sum3A_507 : i1 to vector<16xi1>
        %reduce_sum3A_509 = tpu.scan <sum>, %select_n3A_506 masked %reduce_sum3A_508 : vector<16xi32>, vector<16xi1> -> vector<16xi32>
        %reduce_sum3A_510 = vector.extract %reduce_sum3A_509[15] : i32 from vector<16xi32>
        %mul3A_511 = arith.constant 16 : i32
        %mul3A_512 = arith.muli %add3A_463, %mul3A_511 : i32
        %add3A_513 = arith.addi %mul3A_512, %sub3A_492 : i32
        %sub3A_514 = arith.subi %reduce_sum3A_510, %reduce_sum3A_501 : i32
        %shift_left3A_515 = arith.shli %add3A_513, %select_n3A_456 : i32
        %or3A = arith.ori %while3A_440, %shift_left3A_515 : i32
        %add3A_516 = arith.addi %sub3A_514, %reduce_sum3A_501 : i32
        %le3A_517 = arith.constant 240 : i32
        %le3A_518 = arith.cmpi sle, %add3A_516, %le3A_517 : i32
        %add3A_519 = arith.constant 1 : i32
        %add3A_520 = arith.addi %while3A_443, %add3A_519 : i32
        scf.yield %or3A, %sub3A_514, %le3A_518, %add3A_520 : i32, i32, i1, i32
      }
      %convert_element_type3A_207 = arith.extui %while3A_206#2 : i1 to i32
      %cond3A = arith.constant 0 : i32
      %cond3A_208 = arith.constant 0 : i32
      %cond3A_209 = arith.cmpi ne, %convert_element_type3A_207, %cond3A_208 : i32
      %cond3A_210 = scf.if %cond3A_209 -> (i32) {
        %broadcast_in_dim3A_440 = arith.constant 0 : i32
        %broadcast_in_dim3A_441 = vector.broadcast %broadcast_in_dim3A_440 : i32 to vector<16xi32>
        %parallel_loop3A_442 = arith.constant 0 : i32
        %parallel_loop3A_443 = arith.constant 6250 : i32
        %parallel_loop3A_444 = arith.constant 1 : i32
        %parallel_loop3A_445 = scf.for %parallel_loop3A_446 = %parallel_loop3A_442 to %parallel_loop3A_443 step %parallel_loop3A_444 iter_args(%parallel_loop3A_447 = %broadcast_in_dim3A_441) -> (vector<16xi32>)  : i32 {
          %parallel_loop3A_448 = arith.constant 16 : i32
          %parallel_loop3A_449 = arith.muli %parallel_loop3A_446, %parallel_loop3A_448 : i32
          %parallel_loop3A_450 = arith.index_cast %parallel_loop3A_449 : i32 to index
          %parallel_loop3A_451 = tpu.vector_load %arg7[%parallel_loop3A_450] {strides = array<i32>} : memref<100000xf32, #tpu.memory_space<vmem>>, vector<16xf32>,
          %parallel_loop3A_452 = tpu.bitcast %parallel_loop3A_451 : vector<16xf32> -> vector<16xi32>
          %parallel_loop3A_453 = arith.constant 0 : i32
          %parallel_loop3A_454 = vector.broadcast %parallel_loop3A_453 : i32 to vector<16xi32>
          %parallel_loop3A_455 = arith.cmpi sge, %parallel_loop3A_452, %parallel_loop3A_454 : vector<16xi32>
          %parallel_loop3A_456 = arith.constant dense<-1> : vector<16xi32>
          %parallel_loop3A_457 = arith.xori %parallel_loop3A_452, %parallel_loop3A_456 : vector<16xi32>
          %parallel_loop3A_458 = arith.constant -2147483648 : i32
          %parallel_loop3A_459 = vector.broadcast %parallel_loop3A_458 : i32 to vector<16xi32>
          %parallel_loop3A_460 = arith.xori %parallel_loop3A_457, %parallel_loop3A_459 : vector<16xi32>
          %parallel_loop3A_461 = arith.select %parallel_loop3A_455, %parallel_loop3A_452, %parallel_loop3A_460 : vector<16xi1>, vector<16xi32>
          %parallel_loop3A_462 = vector.broadcast %while3A_206#0 : i32 to vector<16xi32>
          %parallel_loop3A_463 = arith.cmpi sge, %parallel_loop3A_461, %parallel_loop3A_462 : vector<16xi32>
          %parallel_loop3A_464 = vector.extract_strided_slice %parallel_loop3A_447 {offsets = [0], sizes = [1], strides = [1]} : vector<16xi32> to vector<1xi32>
          %parallel_loop3A_465 = vector.extract %parallel_loop3A_464[0] : i32 from vector<1xi32>
          %parallel_loop3A_466 = arith.constant 240 : i32
          %parallel_loop3A_467 = arith.minsi %parallel_loop3A_465, %parallel_loop3A_466 : i32
          %parallel_loop3A_468 = arith.constant 16 : i32
          %parallel_loop3A_469 = arith.muli %parallel_loop3A_446, %parallel_loop3A_468 : i32
          %parallel_loop3A_470 = vector.broadcast %parallel_loop3A_469 : i32 to vector<16xi32>
          %parallel_loop3A_471 = arith.addi %parallel_loop3A_470, %iota3A : vector<16xi32>
          %parallel_loop3A_472 = arith.index_cast %parallel_loop3A_467 : i32 to index
          %parallel_loop3A_473 = tpu.vector_load %arg10[%parallel_loop3A_472] masked %parallel_loop3A_463 {strides = array<i32>} : memref<256xi32, #tpu.memory_space<vmem>>, vector<16xi32>, vector<16xi1>
          tpu.vector_store %arg10[%parallel_loop3A_472], %parallel_loop3A_471 masked %parallel_loop3A_463 {strides = array<i32>} : memref<256xi32, #tpu.memory_space<vmem>>, vector<16xi32>, vector<16xi1>
          %parallel_loop3A_474 = tpu.all_reduce %parallel_loop3A_463 {dim = 0 : i64, kind = #tpu.reduction_kind<sum>} : vector<16xi1> -> vector<16xi32>
          %parallel_loop3A_475 = arith.addi %parallel_loop3A_447, %parallel_loop3A_474 : vector<16xi32>
          scf.yield %parallel_loop3A_475 : vector<16xi32>
        } {sc.loop_unroll_factor = 8 : i64, sc.parallel_access}
        %slice3A = vector.extract_strided_slice %parallel_loop3A_445 {offsets = [0], sizes = [1], strides = [1]} : vector<16xi32> to vector<1xi32>
        %squeeze3A = vector.extract %slice3A[0] : i32 from vector<1xi32>
        scf.yield %squeeze3A : i32
      } else {
        %scan3A_440 = arith.constant 0 : i32
        %scan3A_441 = arith.constant 0 : i32
        %scan3A_442 = arith.constant 0 : i32
        %scan3A_443 = arith.constant 6250 : i32
        %scan3A_444 = arith.addi %scan3A_442, %scan3A_443 : i32
        %scan3A_445 = arith.constant 1 : i32
        %scan3A_446:2 = scf.for %scan3A_458 = %scan3A_442 to %scan3A_444 step %scan3A_445 iter_args(%scan3A_459 = %scan3A_440, %scan3A_460 = %scan3A_441) -> (i32, i32)  : i32 {
          %mul3A_461 = arith.constant 16 : i32
          %mul3A_462 = arith.muli %scan3A_458, %mul3A_461 : i32
          %get3A_463 = arith.index_cast %mul3A_462 : i32 to index
          %get3A_464 = tpu.vector_load %arg7[%get3A_463] {strides = array<i32>} : memref<100000xf32, #tpu.memory_space<vmem>>, vector<16xf32>,
          %bitcast_convert_type3A_465 = tpu.bitcast %get3A_464 : vector<16xf32> -> vector<16xi32>
          %ge3A_466 = arith.constant 0 : i32
          %ge3A_467 = vector.broadcast %ge3A_466 : i32 to vector<16xi32>
          %ge3A_468 = arith.cmpi sge, %bitcast_convert_type3A_465, %ge3A_467 : vector<16xi32>
          %not3A_469 = arith.constant dense<-1> : vector<16xi32>
          %not3A_470 = arith.xori %bitcast_convert_type3A_465, %not3A_469 : vector<16xi32>
          %xor3A_471 = arith.constant -2147483648 : i32
          %xor3A_472 = vector.broadcast %xor3A_471 : i32 to vector<16xi32>
          %xor3A_473 = arith.xori %not3A_470, %xor3A_472 : vector<16xi32>
          %select_n3A_474 = arith.select %ge3A_468, %bitcast_convert_type3A_465, %xor3A_473 : vector<16xi1>, vector<16xi32>
          %gt3A = vector.broadcast %while3A_206#0 : i32 to vector<16xi32>
          %gt3A_475 = arith.cmpi sgt, %select_n3A_474, %gt3A : vector<16xi32>
          %eq3A_476 = vector.broadcast %while3A_206#0 : i32 to vector<16xi32>
          %eq3A_477 = arith.cmpi eq, %select_n3A_474, %eq3A_476 : vector<16xi32>
          %min3A_478 = arith.constant 80 : i32
          %min3A_479 = arith.minsi %scan3A_459, %min3A_478 : i32
          %min3A_480 = arith.constant 64 : i32
          %min3A_481 = arith.minsi %scan3A_460, %min3A_480 : i32
          %swap3A = arith.index_cast %min3A_479 : i32 to index
          %swap3A_482 = tpu.vector_load %arg9[%swap3A] masked %gt3A_475 {strides = array<i32>} : memref<256xi32, #tpu.memory_space<vmem>>, vector<16xi32>, vector<16xi1>
          tpu.vector_store %arg9[%swap3A], %select_n3A_474 masked %gt3A_475 {strides = array<i32>} : memref<256xi32, #tpu.memory_space<vmem>>, vector<16xi32>, vector<16xi1>
          %mul3A_483 = arith.constant 16 : i32
          %mul3A_484 = arith.muli %scan3A_458, %mul3A_483 : i32
          %add3A_485 = vector.broadcast %mul3A_484 : i32 to vector<16xi32>
          %add3A_486 = arith.addi %add3A_485, %iota3A : vector<16xi32>
          %swap3A_487 = arith.index_cast %min3A_479 : i32 to index
          %swap3A_488 = tpu.vector_load %arg10[%swap3A_487] masked %gt3A_475 {strides = array<i32>} : memref<256xi32, #tpu.memory_space<vmem>>, vector<16xi32>, vector<16xi1>
          tpu.vector_store %arg10[%swap3A_487], %add3A_486 masked %gt3A_475 {strides = array<i32>} : memref<256xi32, #tpu.memory_space<vmem>>, vector<16xi32>, vector<16xi1>
          %swap3A_489 = arith.index_cast %min3A_481 : i32 to index
          %swap3A_490 = tpu.vector_load %arg11[%swap3A_489] masked %eq3A_477 {strides = array<i32>} : memref<96xi32, #tpu.memory_space<vmem>>, vector<16xi32>, vector<16xi1>
          tpu.vector_store %arg11[%swap3A_489], %select_n3A_474 masked %eq3A_477 {strides = array<i32>} : memref<96xi32, #tpu.memory_space<vmem>>, vector<16xi32>, vector<16xi1>
          %mul3A_491 = arith.constant 16 : i32
          %mul3A_492 = arith.muli %scan3A_458, %mul3A_491 : i32
          %add3A_493 = vector.broadcast %mul3A_492 : i32 to vector<16xi32>
          %add3A_494 = arith.addi %add3A_493, %iota3A : vector<16xi32>
          %swap3A_495 = arith.index_cast %min3A_481 : i32 to index
          %swap3A_496 = tpu.vector_load %arg12[%swap3A_495] masked %eq3A_477 {strides = array<i32>} : memref<96xi32, #tpu.memory_space<vmem>>, vector<16xi32>, vector<16xi1>
          tpu.vector_store %arg12[%swap3A_495], %add3A_494 masked %eq3A_477 {strides = array<i32>} : memref<96xi32, #tpu.memory_space<vmem>>, vector<16xi32>, vector<16xi1>
          %convert_element_type3A_497 = arith.extui %gt3A_475 : vector<16xi1> to vector<16xi32>
          %reduce_sum3A_498 = arith.constant true
          %reduce_sum3A_499 = vector.broadcast %reduce_sum3A_498 : i1 to vector<16xi1>
          %reduce_sum3A_500 = tpu.scan <sum>, %convert_element_type3A_497 masked %reduce_sum3A_499 : vector<16xi32>, vector<16xi1> -> vector<16xi32>
          %reduce_sum3A_501 = vector.extract %reduce_sum3A_500[15] : i32 from vector<16xi32>
          %add3A_502 = arith.addi %scan3A_459, %reduce_sum3A_501 : i32
          %convert_element_type3A_503 = arith.extui %eq3A_477 : vector<16xi1> to vector<16xi32>
          %reduce_sum3A_504 = arith.constant true
          %reduce_sum3A_505 = vector.broadcast %reduce_sum3A_504 : i1 to vector<16xi1>
          %reduce_sum3A_506 = tpu.scan <sum>, %convert_element_type3A_503 masked %reduce_sum3A_505 : vector<16xi32>, vector<16xi1> -> vector<16xi32>
          %reduce_sum3A_507 = vector.extract %reduce_sum3A_506[15] : i32 from vector<16xi32>
          %add3A_508 = arith.addi %scan3A_460, %reduce_sum3A_507 : i32
          scf.yield %add3A_502, %add3A_508 : i32, i32
        }
        %scan3A_447 = arith.constant 6250 : i32
        %min3A_448 = arith.constant 64 : i32
        %min3A_449 = arith.minsi %scan3A_446#1, %min3A_448 : i32
        %scan3A_450 = arith.constant 0 : i32
        %scan3A_451 = arith.constant 0 : i32
        %scan3A_452 = arith.constant 4 : i32
        %scan3A_453 = arith.addi %scan3A_451, %scan3A_452 : i32
        %scan3A_454 = arith.constant 1 : i32
        %scan3A_455 = scf.for %scan3A_458 = %scan3A_451 to %scan3A_453 step %scan3A_454 iter_args(%scan3A_459 = %scan3A_450) -> (i32)  : i32 {
          %mul3A_460 = arith.constant 16 : i32
          %mul3A_461 = arith.muli %scan3A_458, %mul3A_460 : i32
          %get3A_462 = arith.index_cast %mul3A_461 : i32 to index
          %get3A_463 = tpu.vector_load %arg11[%get3A_462] {strides = array<i32>} : memref<96xi32, #tpu.memory_space<vmem>>, vector<16xi32>,
          %mul3A_464 = arith.constant 16 : i32
          %mul3A_465 = arith.muli %scan3A_458, %mul3A_464 : i32
          %get3A_466 = arith.index_cast %mul3A_465 : i32 to index
          %get3A_467 = tpu.vector_load %arg12[%get3A_466] {strides = array<i32>} : memref<96xi32, #tpu.memory_space<vmem>>, vector<16xi32>,
          %mul3A_468 = arith.constant 16 : i32
          %mul3A_469 = arith.muli %scan3A_458, %mul3A_468 : i32
          %add3A_470 = vector.broadcast %mul3A_469 : i32 to vector<16xi32>
          %add3A_471 = arith.addi %add3A_470, %iota3A : vector<16xi32>
          %lt3A_472 = vector.broadcast %min3A_449 : i32 to vector<16xi32>
          %lt3A_473 = arith.cmpi slt, %add3A_471, %lt3A_472 : vector<16xi32>
          %select_n3A_474 = arith.select %lt3A_473, %get3A_463, %broadcast_in_dim3A_7 : vector<16xi1>, vector<16xi32>
          %mul3A_475 = arith.constant 16 : i32
          %mul3A_476 = arith.muli %scan3A_458, %mul3A_475 : i32
          %add3A_477 = arith.addi %scan3A_446#0, %mul3A_476 : i32
          %swap3A = arith.index_cast %add3A_477 : i32 to index
          %swap3A_478 = tpu.vector_load %arg9[%swap3A] {strides = array<i32>} : memref<256xi32, #tpu.memory_space<vmem>>, vector<16xi32>,
          tpu.vector_store %arg9[%swap3A], %select_n3A_474 {strides = array<i32>} : memref<256xi32, #tpu.memory_space<vmem>>, vector<16xi32>,
          %mul3A_479 = arith.constant 16 : i32
          %mul3A_480 = arith.muli %scan3A_458, %mul3A_479 : i32
          %add3A_481 = arith.addi %scan3A_446#0, %mul3A_480 : i32
          %swap3A_482 = arith.index_cast %add3A_481 : i32 to index
          %swap3A_483 = tpu.vector_load %arg10[%swap3A_482] {strides = array<i32>} : memref<256xi32, #tpu.memory_space<vmem>>, vector<16xi32>,
          tpu.vector_store %arg10[%swap3A_482], %get3A_467 {strides = array<i32>} : memref<256xi32, #tpu.memory_space<vmem>>, vector<16xi32>,
          %scan3A_484 = arith.constant 0 : i32
          scf.yield %scan3A_484 : i32
        }
        %scan3A_456 = arith.constant 4 : i32
        %add3A_457 = arith.addi %scan3A_446#0, %min3A_449 : i32
        scf.yield %add3A_457 : i32
      }
      %parallel_loop3A_211 = arith.constant 0 : i32
      %parallel_loop3A_212 = arith.constant 16 : i32
      %parallel_loop3A_213 = arith.constant 1 : i32
      scf.for %parallel_loop3A_440 = %parallel_loop3A_211 to %parallel_loop3A_212 step %parallel_loop3A_213  : i32 {
        %parallel_loop3A_441 = arith.constant 16 : i32
        %parallel_loop3A_442 = arith.muli %parallel_loop3A_440, %parallel_loop3A_441 : i32
        %parallel_loop3A_443 = vector.broadcast %parallel_loop3A_442 : i32 to vector<16xi32>
        %parallel_loop3A_444 = arith.addi %parallel_loop3A_443, %iota3A : vector<16xi32>
        %parallel_loop3A_445 = vector.broadcast %cond3A_210 : i32 to vector<16xi32>
        %parallel_loop3A_446 = arith.cmpi slt, %parallel_loop3A_444, %parallel_loop3A_445 : vector<16xi32>
        %parallel_loop3A_447 = arith.constant 16 : i32
        %parallel_loop3A_448 = arith.muli %parallel_loop3A_440, %parallel_loop3A_447 : i32
        %parallel_loop3A_449 = arith.index_cast %parallel_loop3A_448 : i32 to index
        %parallel_loop3A_450 = tpu.vector_load %arg10[%parallel_loop3A_449] {strides = array<i32>} : memref<256xi32, #tpu.memory_space<vmem>>, vector<16xi32>,
        %parallel_loop3A_451 = tpu.vector_load_idx %arg7[%parallel_loop3A_450] masked %parallel_loop3A_446 : memref<100000xf32, #tpu.memory_space<vmem>>[vector<16xi32>], vector<16xf32>, vector<16xi1>
        %parallel_loop3A_452 = tpu.bitcast %parallel_loop3A_451 : vector<16xf32> -> vector<16xi32>
        %parallel_loop3A_453 = arith.constant 0 : i32
        %parallel_loop3A_454 = vector.broadcast %parallel_loop3A_453 : i32 to vector<16xi32>
        %parallel_loop3A_455 = arith.cmpi sge, %parallel_loop3A_452, %parallel_loop3A_454 : vector<16xi32>
        %parallel_loop3A_456 = arith.constant dense<-1> : vector<16xi32>
        %parallel_loop3A_457 = arith.xori %parallel_loop3A_452, %parallel_loop3A_456 : vector<16xi32>
        %parallel_loop3A_458 = arith.constant -2147483648 : i32
        %parallel_loop3A_459 = vector.broadcast %parallel_loop3A_458 : i32 to vector<16xi32>
        %parallel_loop3A_460 = arith.xori %parallel_loop3A_457, %parallel_loop3A_459 : vector<16xi32>
        %parallel_loop3A_461 = arith.select %parallel_loop3A_455, %parallel_loop3A_452, %parallel_loop3A_460 : vector<16xi1>, vector<16xi32>
        %parallel_loop3A_462 = arith.select %parallel_loop3A_446, %parallel_loop3A_461, %broadcast_in_dim3A_7 : vector<16xi1>, vector<16xi32>
        %parallel_loop3A_463 = arith.constant 16 : i32
        %parallel_loop3A_464 = arith.muli %parallel_loop3A_440, %parallel_loop3A_463 : i32
        %parallel_loop3A_465 = arith.index_cast %parallel_loop3A_464 : i32 to index
        %parallel_loop3A_466 = tpu.vector_load %arg9[%parallel_loop3A_465] {strides = array<i32>} : memref<256xi32, #tpu.memory_space<vmem>>, vector<16xi32>,
        tpu.vector_store %arg9[%parallel_loop3A_465], %parallel_loop3A_462 {strides = array<i32>} : memref<256xi32, #tpu.memory_space<vmem>>, vector<16xi32>,
      } {sc.loop_unroll_factor = 4 : i64, sc.parallel_access}
      %add3A_214 = arith.constant 1 : i32
      %add3A_215 = arith.addi %add3A_96, %add3A_214 : i32
      %add3A_216 = arith.constant 8 : i32
      %add3A_217 = arith.addi %mul3A_2, %add3A_216 : i32
      %sub3A_218 = arith.constant 1 : i32
      %sub3A_219 = arith.subi %add3A_217, %sub3A_218 : i32
      %min3A = arith.minsi %add3A_215, %sub3A_219 : i32
      %jit3A_220 = arith.constant 4 : i32
      %div3A_221 = arith.divsi %min3A, %jit3A_220 : i32
      %sign3A_222 = arith.constant 0 : i32
      %sign3A_223 = arith.cmpi sgt, %min3A, %sign3A_222 : i32
      %sign3A_224 = arith.extui %sign3A_223 : i1 to i32
      %sign3A_225 = arith.constant 0 : i32
      %sign3A_226 = arith.cmpi slt, %min3A, %sign3A_225 : i32
      %sign3A_227 = arith.extui %sign3A_226 : i1 to i32
      %sign3A_228 = arith.subi %sign3A_224, %sign3A_227 : i32
      %sign3A_229 = arith.constant 0 : i32
      %sign3A_230 = arith.cmpi sgt, %jit3A_220, %sign3A_229 : i32
      %sign3A_231 = arith.extui %sign3A_230 : i1 to i32
      %sign3A_232 = arith.constant 0 : i32
      %sign3A_233 = arith.cmpi slt, %jit3A_220, %sign3A_232 : i32
      %sign3A_234 = arith.extui %sign3A_233 : i1 to i32
      %sign3A_235 = arith.subi %sign3A_231, %sign3A_234 : i32
      %ne3A_236 = arith.cmpi ne, %sign3A_228, %sign3A_235 : i32
      %rem3A_237 = arith.remsi %min3A, %jit3A_220 : i32
      %ne3A_238 = arith.constant 0 : i32
      %ne3A_239 = arith.cmpi ne, %rem3A_237, %ne3A_238 : i32
      %and3A_240 = arith.andi %ne3A_236, %ne3A_239 : i1
      %sub3A_241 = arith.constant 1 : i32
      %sub3A_242 = arith.subi %div3A_221, %sub3A_241 : i32
      %select_n3A_243 = arith.select %and3A_240, %sub3A_242, %div3A_221 : i32
      %jit3A_244 = arith.constant 4 : i32
      %eq3A_245 = arith.constant 0 : i32
      %eq3A_246 = arith.cmpi eq, %jit3A_244, %eq3A_245 : i32
      %jit3A_247 = arith.constant 1 : i32
      %select_n3A_248 = arith.select %eq3A_246, %jit3A_247, %jit3A_244 : i32
      %rem3A_249 = arith.remsi %min3A, %select_n3A_248 : i32
      %ne3A_250 = arith.constant 0 : i32
      %ne3A_251 = arith.cmpi ne, %rem3A_249, %ne3A_250 : i32
      %lt3A_252 = arith.constant 0 : i32
      %lt3A_253 = arith.cmpi slt, %rem3A_249, %lt3A_252 : i32
      %lt3A_254 = arith.constant 0 : i32
      %lt3A_255 = arith.cmpi slt, %select_n3A_248, %lt3A_254 : i32
      %ne3A_256 = arith.xori %lt3A_253, %lt3A_255 : i1
      %and3A_257 = arith.andi %ne3A_256, %ne3A_251 : i1
      %add3A_258 = arith.addi %rem3A_249, %select_n3A_248 : i32
      %select_n3A_259 = arith.select %and3A_257, %add3A_258, %rem3A_249 : i32
      %dma_start3A_260 = arith.constant 0 : i32
      %dma_start3A_261 = tpu.memref_slice %arg2[%select_n3A_243, %select_n3A_259, %dma_start3A_260] : memref<64x4x100000xf32, #tpu.memory_space<hbm>> -> memref<1x1x100000xf32, #tpu.memory_space<hbm>>
      %dma_start3A_262 = tpu.memref_squeeze %dma_start3A_261 : memref<1x1x100000xf32, #tpu.memory_space<hbm>> -> memref<100000xf32, #tpu.memory_space<hbm>>
      %dma_start3A_263 = arith.constant 0 : i32
      %dma_start3A_264 = tpu.memref_slice %arg2[%select_n3A_243, %select_n3A_259, %dma_start3A_263] : memref<64x4x100000xf32, #tpu.memory_space<hbm>> -> memref<1x1x100000xf32, #tpu.memory_space<hbm>>
      %dma_start3A_265 = tpu.memref_squeeze %dma_start3A_264 : memref<1x1x100000xf32, #tpu.memory_space<hbm>> -> memref<100000xf32, #tpu.memory_space<hbm>>
      tpu.enqueue_dma source(%dma_start3A_265 : memref<100000xf32, #tpu.memory_space<hbm>>) target(%arg7 : memref<100000xf32, #tpu.memory_space<vmem>>) target_semaphore(%arg19 : memref<!tpu.dma_semaphore, #tpu.memory_space<semaphore_mem>>)
      %scan3A_266 = arith.constant 0 : i32
      %scan3A_267 = arith.constant 16 : i32
      %scan3A_268 = arith.addi %scan3A_266, %scan3A_267 : i32
      %scan3A_269 = arith.constant 1 : i32
      %scan3A_270 = scf.for %scan3A_440 = %scan3A_266 to %scan3A_268 step %scan3A_269 iter_args(%scan3A_441 = %broadcast_in_dim3A_7) -> (vector<16xi32>)  : i32 {
        %mul3A_442 = arith.constant 16 : i32
        %mul3A_443 = arith.muli %scan3A_440, %mul3A_442 : i32
        %get3A_444 = arith.index_cast %mul3A_443 : i32 to index
        %get3A_445 = tpu.vector_load %arg9[%get3A_444] {strides = array<i32>} : memref<256xi32, #tpu.memory_space<vmem>>, vector<16xi32>,
        %reduce_max3A_446 = arith.constant true
        %reduce_max3A_447 = vector.broadcast %reduce_max3A_446 : i1 to vector<16xi1>
        %reduce_max3A_448 = arith.constant -2147483648 : i32
        %reduce_max3A_449 = vector.broadcast %reduce_max3A_448 : i32 to vector<16xi32>
        %reduce_max3A_450 = arith.xori %get3A_445, %reduce_max3A_449 : vector<16xi32>
        %reduce_max3A_451 = tpu.scan <max>, %reduce_max3A_450 masked %reduce_max3A_447 : vector<16xi32>, vector<16xi1> -> vector<16xi32>
        %reduce_max3A_452 = arith.xori %reduce_max3A_451, %reduce_max3A_449 : vector<16xi32>
        %reduce_max3A_453 = vector.extract %reduce_max3A_452[15] : i32 from vector<16xi32>
        %eq3A_454 = vector.broadcast %scan3A_440 : i32 to vector<16xi32>
        %eq3A_455 = arith.cmpi eq, %iota3A, %eq3A_454 : vector<16xi32>
        %broadcast_in_dim3A_456 = vector.broadcast %reduce_max3A_453 : i32 to vector<16xi32>
        %select_n3A_457 = arith.select %eq3A_455, %broadcast_in_dim3A_456, %scan3A_441 : vector<16xi1>, vector<16xi32>
        scf.yield %select_n3A_457 : vector<16xi32>
      }
      %scan3A_271 = arith.constant 16 : i32
      %scan3A_272 = arith.constant 0 : i32
      %scan3A_273 = arith.constant 64 : i32
      %scan3A_274 = arith.addi %scan3A_272, %scan3A_273 : i32
      %scan3A_275 = arith.constant 1 : i32
      %scan3A_276 = scf.for %scan3A_440 = %scan3A_272 to %scan3A_274 step %scan3A_275 iter_args(%scan3A_441 = %scan3A_270) -> (vector<16xi32>)  : i32 {
        %reduce_max3A_442 = arith.constant true
        %reduce_max3A_443 = vector.broadcast %reduce_max3A_442 : i1 to vector<16xi1>
        %reduce_max3A_444 = arith.constant -2147483648 : i32
        %reduce_max3A_445 = vector.broadcast %reduce_max3A_444 : i32 to vector<16xi32>
        %reduce_max3A_446 = arith.xori %scan3A_441, %reduce_max3A_445 : vector<16xi32>
        %reduce_max3A_447 = tpu.scan <max>, %reduce_max3A_446 masked %reduce_max3A_443 : vector<16xi32>, vector<16xi1> -> vector<16xi32>
        %reduce_max3A_448 = arith.xori %reduce_max3A_447, %reduce_max3A_445 : vector<16xi32>
        %reduce_max3A_449 = vector.extract %reduce_max3A_448[15] : i32 from vector<16xi32>
        %eq3A_450 = vector.broadcast %reduce_max3A_449 : i32 to vector<16xi32>
        %eq3A_451 = arith.cmpi eq, %scan3A_441, %eq3A_450 : vector<16xi32>
        %all_reduce_ffs3A_452 = tpu.all_reduce %eq3A_451 {dim = 0 : i64, kind = #tpu.reduction_kind<find_first_set>} : vector<16xi1> -> vector<16xi32>
        %mul3A_453 = arith.constant 16 : i32
        %mul3A_454 = vector.broadcast %mul3A_453 : i32 to vector<16xi32>
        %mul3A_455 = arith.muli %all_reduce_ffs3A_452, %mul3A_454 : vector<16xi32>
        %add3A_456 = arith.addi %mul3A_455, %iota3A : vector<16xi32>
        %gather3A_457 = tpu.vector_load_idx %arg9[%add3A_456] : memref<256xi32, #tpu.memory_space<vmem>>[vector<16xi32>], vector<16xi32>,
        %eq3A_458 = vector.broadcast %reduce_max3A_449 : i32 to vector<16xi32>
        %eq3A_459 = arith.cmpi eq, %gather3A_457, %eq3A_458 : vector<16xi32>
        %all_reduce_ffs3A_460 = tpu.all_reduce %eq3A_459 {dim = 0 : i64, kind = #tpu.reduction_kind<find_first_set>} : vector<16xi1> -> vector<16xi32>
        %mul3A_461 = arith.constant 16 : i32
        %mul3A_462 = vector.broadcast %mul3A_461 : i32 to vector<16xi32>
        %mul3A_463 = arith.muli %all_reduce_ffs3A_452, %mul3A_462 : vector<16xi32>
        %add3A_464 = arith.addi %mul3A_463, %all_reduce_ffs3A_460 : vector<16xi32>
        %gather3A_465 = tpu.vector_load_idx %arg10[%add3A_464] : memref<256xi32, #tpu.memory_space<vmem>>[vector<16xi32>], vector<16xi32>,
        %broadcast_in_dim3A_466 = vector.broadcast %scan3A_440 : i32 to vector<16xi32>
        %broadcast_in_dim3A_467 = vector.broadcast %reduce_max3A_449 : i32 to vector<16xi32>
        %eq3A_468 = arith.constant 0 : i32
        %eq3A_469 = vector.broadcast %eq3A_468 : i32 to vector<16xi32>
        %eq3A_470 = arith.cmpi eq, %iota3A, %eq3A_469 : vector<16xi32>
        tpu.vector_store_idx %arg13[%broadcast_in_dim3A_466], %broadcast_in_dim3A_467 masked %eq3A_470 : memref<64xi32, #tpu.memory_space<vmem>>[vector<16xi32>], vector<16xi32>, vector<16xi1>
        %broadcast_in_dim3A_471 = vector.broadcast %scan3A_440 : i32 to vector<16xi32>
        %eq3A_472 = arith.constant 0 : i32
        %eq3A_473 = vector.broadcast %eq3A_472 : i32 to vector<16xi32>
        %eq3A_474 = arith.cmpi eq, %iota3A, %eq3A_473 : vector<16xi32>
        tpu.vector_store_idx %arg14[%broadcast_in_dim3A_471], %gather3A_465 masked %eq3A_474 : memref<64xi32, #tpu.memory_space<vmem>>[vector<16xi32>], vector<16xi32>, vector<16xi1>
        %eq3A_475 = arith.constant 0 : i32
        %eq3A_476 = vector.broadcast %eq3A_475 : i32 to vector<16xi32>
        %eq3A_477 = arith.cmpi eq, %iota3A, %eq3A_476 : vector<16xi32>
        tpu.vector_store_idx %arg9[%add3A_464], %broadcast_in_dim3A_7 masked %eq3A_477 : memref<256xi32, #tpu.memory_space<vmem>>[vector<16xi32>], vector<16xi32>, vector<16xi1>
        %eq3A_478 = arith.cmpi eq, %iota3A, %all_reduce_ffs3A_460 : vector<16xi32>
        %select_n3A_479 = arith.select %eq3A_478, %broadcast_in_dim3A_7, %gather3A_457 : vector<16xi1>, vector<16xi32>
        %eq3A_480 = arith.cmpi eq, %iota3A, %all_reduce_ffs3A_452 : vector<16xi32>
        %reduce_max3A_481 = arith.constant true
        %reduce_max3A_482 = vector.broadcast %reduce_max3A_481 : i1 to vector<16xi1>
        %reduce_max3A_483 = arith.constant -2147483648 : i32
        %reduce_max3A_484 = vector.broadcast %reduce_max3A_483 : i32 to vector<16xi32>
        %reduce_max3A_485 = arith.xori %select_n3A_479, %reduce_max3A_484 : vector<16xi32>
        %reduce_max3A_486 = tpu.scan <max>, %reduce_max3A_485 masked %reduce_max3A_482 : vector<16xi32>, vector<16xi1> -> vector<16xi32>
        %reduce_max3A_487 = arith.xori %reduce_max3A_486, %reduce_max3A_484 : vector<16xi32>
        %reduce_max3A_488 = vector.extract %reduce_max3A_487[15] : i32 from vector<16xi32>
        %broadcast_in_dim3A_489 = vector.broadcast %reduce_max3A_488 : i32 to vector<16xi32>
        %select_n3A_490 = arith.select %eq3A_480, %broadcast_in_dim3A_489, %scan3A_441 : vector<16xi1>, vector<16xi32>
        scf.yield %select_n3A_490 : vector<16xi32>
      }
      %scan3A_277 = arith.constant 64 : i32
      %get3A_278 = arith.constant 0 : index
      %get3A_279 = tpu.vector_load %arg13[%get3A_278] {strides = array<i32>} : memref<64xi32, #tpu.memory_space<vmem>>, vector<16xi32>,
      %ge3A_280 = arith.constant 0 : i32
      %ge3A_281 = vector.broadcast %ge3A_280 : i32 to vector<16xi32>
      %ge3A_282 = arith.cmpi sge, %get3A_279, %ge3A_281 : vector<16xi32>
      %xor3A = arith.constant -2147483648 : i32
      %xor3A_283 = vector.broadcast %xor3A : i32 to vector<16xi32>
      %xor3A_284 = arith.xori %get3A_279, %xor3A_283 : vector<16xi32>
      %not3A = arith.constant dense<-1> : vector<16xi32>
      %not3A_285 = arith.xori %xor3A_284, %not3A : vector<16xi32>
      %select_n3A_286 = arith.select %ge3A_282, %get3A_279, %not3A_285 : vector<16xi1>, vector<16xi32>
      %get3A_287 = arith.constant 16 : index
      %get3A_288 = tpu.vector_load %arg13[%get3A_287] {strides = array<i32>} : memref<64xi32, #tpu.memory_space<vmem>>, vector<16xi32>,
      %ge3A_289 = arith.constant 0 : i32
      %ge3A_290 = vector.broadcast %ge3A_289 : i32 to vector<16xi32>
      %ge3A_291 = arith.cmpi sge, %get3A_288, %ge3A_290 : vector<16xi32>
      %xor3A_292 = arith.constant -2147483648 : i32
      %xor3A_293 = vector.broadcast %xor3A_292 : i32 to vector<16xi32>
      %xor3A_294 = arith.xori %get3A_288, %xor3A_293 : vector<16xi32>
      %not3A_295 = arith.constant dense<-1> : vector<16xi32>
      %not3A_296 = arith.xori %xor3A_294, %not3A_295 : vector<16xi32>
      %select_n3A_297 = arith.select %ge3A_291, %get3A_288, %not3A_296 : vector<16xi1>, vector<16xi32>
      %get3A_298 = arith.constant 32 : index
      %get3A_299 = tpu.vector_load %arg13[%get3A_298] {strides = array<i32>} : memref<64xi32, #tpu.memory_space<vmem>>, vector<16xi32>,
      %ge3A_300 = arith.constant 0 : i32
      %ge3A_301 = vector.broadcast %ge3A_300 : i32 to vector<16xi32>
      %ge3A_302 = arith.cmpi sge, %get3A_299, %ge3A_301 : vector<16xi32>
      %xor3A_303 = arith.constant -2147483648 : i32
      %xor3A_304 = vector.broadcast %xor3A_303 : i32 to vector<16xi32>
      %xor3A_305 = arith.xori %get3A_299, %xor3A_304 : vector<16xi32>
      %not3A_306 = arith.constant dense<-1> : vector<16xi32>
      %not3A_307 = arith.xori %xor3A_305, %not3A_306 : vector<16xi32>
      %select_n3A_308 = arith.select %ge3A_302, %get3A_299, %not3A_307 : vector<16xi1>, vector<16xi32>
      %get3A_309 = arith.constant 48 : index
      %get3A_310 = tpu.vector_load %arg13[%get3A_309] {strides = array<i32>} : memref<64xi32, #tpu.memory_space<vmem>>, vector<16xi32>,
      %ge3A_311 = arith.constant 0 : i32
      %ge3A_312 = vector.broadcast %ge3A_311 : i32 to vector<16xi32>
      %ge3A_313 = arith.cmpi sge, %get3A_310, %ge3A_312 : vector<16xi32>
      %xor3A_314 = arith.constant -2147483648 : i32
      %xor3A_315 = vector.broadcast %xor3A_314 : i32 to vector<16xi32>
      %xor3A_316 = arith.xori %get3A_310, %xor3A_315 : vector<16xi32>
      %not3A_317 = arith.constant dense<-1> : vector<16xi32>
      %not3A_318 = arith.xori %xor3A_316, %not3A_317 : vector<16xi32>
      %select_n3A_319 = arith.select %ge3A_313, %get3A_310, %not3A_318 : vector<16xi1>, vector<16xi32>
      %bitcast_convert_type3A = tpu.bitcast %select_n3A_286 : vector<16xi32> -> vector<16xf32>
      %get3A_320 = arith.constant 0 : index
      %get3A_321 = tpu.vector_load %arg15[%get3A_320] {strides = array<i32>} : memref<64xf32, #tpu.memory_space<vmem>>, vector<16xf32>,
      %add3A_322 = arith.addf %bitcast_convert_type3A, %get3A_321 : vector<16xf32>
      %bitcast_convert_type3A_323 = tpu.bitcast %select_n3A_297 : vector<16xi32> -> vector<16xf32>
      %get3A_324 = arith.constant 16 : index
      %get3A_325 = tpu.vector_load %arg15[%get3A_324] {strides = array<i32>} : memref<64xf32, #tpu.memory_space<vmem>>, vector<16xf32>,
      %add3A_326 = arith.addf %bitcast_convert_type3A_323, %get3A_325 : vector<16xf32>
      %bitcast_convert_type3A_327 = tpu.bitcast %select_n3A_308 : vector<16xi32> -> vector<16xf32>
      %get3A_328 = arith.constant 32 : index
      %get3A_329 = tpu.vector_load %arg15[%get3A_328] {strides = array<i32>} : memref<64xf32, #tpu.memory_space<vmem>>, vector<16xf32>,
      %add3A_330 = arith.addf %bitcast_convert_type3A_327, %get3A_329 : vector<16xf32>
      %bitcast_convert_type3A_331 = tpu.bitcast %select_n3A_319 : vector<16xi32> -> vector<16xf32>
      %get3A_332 = arith.constant 48 : index
      %get3A_333 = tpu.vector_load %arg15[%get3A_332] {strides = array<i32>} : memref<64xf32, #tpu.memory_space<vmem>>, vector<16xf32>,
      %add3A_334 = arith.addf %bitcast_convert_type3A_331, %get3A_333 : vector<16xf32>
      %reduce_max3A = arith.constant true
      %reduce_max3A_335 = vector.broadcast %reduce_max3A : i1 to vector<16xi1>
      %reduce_max3A_336 = tpu.scan <max>, %add3A_322 masked %reduce_max3A_335 : vector<16xf32>, vector<16xi1> -> vector<16xf32>
      %reduce_max3A_337 = vector.extract %reduce_max3A_336[15] : f32 from vector<16xf32>
      %reduce_max3A_338 = arith.constant true
      %reduce_max3A_339 = vector.broadcast %reduce_max3A_338 : i1 to vector<16xi1>
      %reduce_max3A_340 = tpu.scan <max>, %add3A_326 masked %reduce_max3A_339 : vector<16xf32>, vector<16xi1> -> vector<16xf32>
      %reduce_max3A_341 = vector.extract %reduce_max3A_340[15] : f32 from vector<16xf32>
      %reduce_max3A_342 = arith.constant true
      %reduce_max3A_343 = vector.broadcast %reduce_max3A_342 : i1 to vector<16xi1>
      %reduce_max3A_344 = tpu.scan <max>, %add3A_330 masked %reduce_max3A_343 : vector<16xf32>, vector<16xi1> -> vector<16xf32>
      %reduce_max3A_345 = vector.extract %reduce_max3A_344[15] : f32 from vector<16xf32>
      %reduce_max3A_346 = arith.constant true
      %reduce_max3A_347 = vector.broadcast %reduce_max3A_346 : i1 to vector<16xi1>
      %reduce_max3A_348 = tpu.scan <max>, %add3A_334 masked %reduce_max3A_347 : vector<16xf32>, vector<16xi1> -> vector<16xf32>
      %reduce_max3A_349 = vector.extract %reduce_max3A_348[15] : f32 from vector<16xf32>
      %max3A = arith.maximumf %reduce_max3A_337, %reduce_max3A_341 : f32
      %max3A_350 = arith.maximumf %reduce_max3A_345, %reduce_max3A_349 : f32
      %max3A_351 = arith.maximumf %max3A, %max3A_350 : f32
      %eq3A_352 = arith.cmpf oeq, %reduce_max3A_337, %max3A_351 : f32
      %eq3A_353 = arith.cmpf oeq, %reduce_max3A_341, %max3A_351 : f32
      %eq3A_354 = arith.cmpf oeq, %reduce_max3A_345, %max3A_351 : f32
      %jit3A_355 = arith.constant 2 : i32
      %jit3A_356 = arith.constant 3 : i32
      %select_n3A_357 = arith.select %eq3A_354, %jit3A_355, %jit3A_356 : i32
      %jit3A_358 = arith.constant 1 : i32
      %select_n3A_359 = arith.select %eq3A_353, %jit3A_358, %select_n3A_357 : i32
      %jit3A_360 = arith.constant 0 : i32
      %select_n3A_361 = arith.select %eq3A_352, %jit3A_360, %select_n3A_359 : i32
      %mul3A_362 = arith.constant 16 : i32
      %mul3A_363 = arith.muli %select_n3A_361, %mul3A_362 : i32
      %get3A_364 = arith.index_cast %mul3A_363 : i32 to index
      %get3A_365 = tpu.vector_load %arg13[%get3A_364] {strides = array<i32>} : memref<64xi32, #tpu.memory_space<vmem>>, vector<16xi32>,
      %ge3A_366 = arith.constant 0 : i32
      %ge3A_367 = vector.broadcast %ge3A_366 : i32 to vector<16xi32>
      %ge3A_368 = arith.cmpi sge, %get3A_365, %ge3A_367 : vector<16xi32>
      %xor3A_369 = arith.constant -2147483648 : i32
      %xor3A_370 = vector.broadcast %xor3A_369 : i32 to vector<16xi32>
      %xor3A_371 = arith.xori %get3A_365, %xor3A_370 : vector<16xi32>
      %not3A_372 = arith.constant dense<-1> : vector<16xi32>
      %not3A_373 = arith.xori %xor3A_371, %not3A_372 : vector<16xi32>
      %select_n3A_374 = arith.select %ge3A_368, %get3A_365, %not3A_373 : vector<16xi1>, vector<16xi32>
      %bitcast_convert_type3A_375 = tpu.bitcast %select_n3A_374 : vector<16xi32> -> vector<16xf32>
      %mul3A_376 = arith.constant 16 : i32
      %mul3A_377 = arith.muli %select_n3A_361, %mul3A_376 : i32
      %get3A_378 = arith.index_cast %mul3A_377 : i32 to index
      %get3A_379 = tpu.vector_load %arg15[%get3A_378] {strides = array<i32>} : memref<64xf32, #tpu.memory_space<vmem>>, vector<16xf32>,
      %add3A_380 = arith.addf %bitcast_convert_type3A_375, %get3A_379 : vector<16xf32>
      %eq3A_381 = vector.broadcast %max3A_351 : f32 to vector<16xf32>
      %eq3A_382 = arith.cmpf oeq, %add3A_380, %eq3A_381 : vector<16xf32>
      %all_reduce_ffs3A = tpu.all_reduce %eq3A_382 {dim = 0 : i64, kind = #tpu.reduction_kind<find_first_set>} : vector<16xi1> -> vector<16xi32>
      %reduce_max3A_383 = arith.constant true
      %reduce_max3A_384 = vector.broadcast %reduce_max3A_383 : i1 to vector<16xi1>
      %reduce_max3A_385 = arith.constant -2147483648 : i32
      %reduce_max3A_386 = vector.broadcast %reduce_max3A_385 : i32 to vector<16xi32>
      %reduce_max3A_387 = arith.xori %all_reduce_ffs3A, %reduce_max3A_386 : vector<16xi32>
      %reduce_max3A_388 = tpu.scan <max>, %reduce_max3A_387 masked %reduce_max3A_384 : vector<16xi32>, vector<16xi1> -> vector<16xi32>
      %reduce_max3A_389 = arith.xori %reduce_max3A_388, %reduce_max3A_386 : vector<16xi32>
      %reduce_max3A_390 = vector.extract %reduce_max3A_389[15] : i32 from vector<16xi32>
      %eq3A_391 = vector.broadcast %reduce_max3A_390 : i32 to vector<16xi32>
      %eq3A_392 = arith.cmpi eq, %iota3A, %eq3A_391 : vector<16xi32>
      %ge3A_393 = arith.constant 0 : i32
      %ge3A_394 = vector.broadcast %ge3A_393 : i32 to vector<16xi32>
      %ge3A_395 = arith.cmpi sge, %get3A_365, %ge3A_394 : vector<16xi32>
      %xor3A_396 = arith.constant -2147483648 : i32
      %xor3A_397 = vector.broadcast %xor3A_396 : i32 to vector<16xi32>
      %xor3A_398 = arith.xori %get3A_365, %xor3A_397 : vector<16xi32>
      %not3A_399 = arith.constant dense<-1> : vector<16xi32>
      %not3A_400 = arith.xori %xor3A_398, %not3A_399 : vector<16xi32>
      %select_n3A_401 = arith.select %ge3A_395, %get3A_365, %not3A_400 : vector<16xi1>, vector<16xi32>
      %bitcast_convert_type3A_402 = tpu.bitcast %select_n3A_401 : vector<16xi32> -> vector<16xf32>
      %jit3A_403 = arith.constant 0.000000e+00 : f32
      %broadcast_in_dim3A_404 = vector.broadcast %jit3A_403 : f32 to vector<16xf32>
      %select_n3A_405 = arith.select %eq3A_392, %bitcast_convert_type3A_402, %broadcast_in_dim3A_404 : vector<16xi1>, vector<16xf32>
      %reduce_sum3A_406 = arith.constant true
      %reduce_sum3A_407 = vector.broadcast %reduce_sum3A_406 : i1 to vector<16xi1>
      %reduce_sum3A_408 = tpu.scan <sum>, %select_n3A_405 masked %reduce_sum3A_407 : vector<16xf32>, vector<16xi1> -> vector<16xf32>
      %reduce_sum3A_409 = vector.extract %reduce_sum3A_408[15] : f32 from vector<16xf32>
      %eq3A_410 = vector.broadcast %reduce_max3A_390 : i32 to vector<16xi32>
      %eq3A_411 = arith.cmpi eq, %iota3A, %eq3A_410 : vector<16xi32>
      %mul3A_412 = arith.constant 16 : i32
      %mul3A_413 = arith.muli %select_n3A_361, %mul3A_412 : i32
      %get3A_414 = arith.index_cast %mul3A_413 : i32 to index
      %get3A_415 = tpu.vector_load %arg14[%get3A_414] {strides = array<i32>} : memref<64xi32, #tpu.memory_space<vmem>>, vector<16xi32>,
      %jit3A_416 = arith.constant 0 : i32
      %broadcast_in_dim3A_417 = vector.broadcast %jit3A_416 : i32 to vector<16xi32>
      %select_n3A_418 = arith.select %eq3A_411, %get3A_415, %broadcast_in_dim3A_417 : vector<16xi1>, vector<16xi32>
      %reduce_sum3A_419 = arith.constant true
      %reduce_sum3A_420 = vector.broadcast %reduce_sum3A_419 : i1 to vector<16xi1>
      %reduce_sum3A_421 = tpu.scan <sum>, %select_n3A_418 masked %reduce_sum3A_420 : vector<16xi32>, vector<16xi1> -> vector<16xi32>
      %reduce_sum3A_422 = vector.extract %reduce_sum3A_421[15] : i32 from vector<16xi32>
      %broadcast_in_dim3A_423 = vector.broadcast %scan3A_94 : i32 to vector<16xi32>
      %gather3A = tpu.vector_load_idx %arg16[%broadcast_in_dim3A_423] : memref<8xf32, #tpu.memory_space<vmem>>[vector<16xi32>], vector<16xf32>,
      %reduce_max3A_424 = arith.constant true
      %reduce_max3A_425 = vector.broadcast %reduce_max3A_424 : i1 to vector<16xi1>
      %reduce_max3A_426 = tpu.scan <max>, %gather3A masked %reduce_max3A_425 : vector<16xf32>, vector<16xi1> -> vector<16xf32>
      %reduce_max3A_427 = vector.extract %reduce_max3A_426[15] : f32 from vector<16xf32>
      %add3A_428 = arith.addf %reduce_sum3A_409, %reduce_max3A_427 : f32
      %broadcast_in_dim3A_429 = vector.broadcast %scan3A_94 : i32 to vector<16xi32>
      %broadcast_in_dim3A_430 = vector.broadcast %add3A_428 : f32 to vector<16xf32>
      %eq3A_431 = arith.constant 0 : i32
      %eq3A_432 = vector.broadcast %eq3A_431 : i32 to vector<16xi32>
      %eq3A_433 = arith.cmpi eq, %iota3A, %eq3A_432 : vector<16xi32>
      tpu.vector_store_idx %arg17[%broadcast_in_dim3A_429], %broadcast_in_dim3A_430 masked %eq3A_433 : memref<8xf32, #tpu.memory_space<vmem>>[vector<16xi32>], vector<16xf32>, vector<16xi1>
      %broadcast_in_dim3A_434 = vector.broadcast %scan3A_94 : i32 to vector<16xi32>
      %broadcast_in_dim3A_435 = vector.broadcast %reduce_sum3A_422 : i32 to vector<16xi32>
      %eq3A_436 = arith.constant 0 : i32
      %eq3A_437 = vector.broadcast %eq3A_436 : i32 to vector<16xi32>
      %eq3A_438 = arith.cmpi eq, %iota3A, %eq3A_437 : vector<16xi32>
      tpu.vector_store_idx %arg18[%broadcast_in_dim3A_434], %broadcast_in_dim3A_435 masked %eq3A_438 : memref<8xi32, #tpu.memory_space<vmem>>[vector<16xi32>], vector<16xi32>, vector<16xi1>
      %scan3A_439 = arith.constant 0 : i32
      scf.yield %scan3A_439 : i32
    }
    %scan3A_48 = arith.constant 8 : i32
    %jit3A_49 = arith.constant 4 : i32
    %div3A_50 = arith.divsi %mul3A_2, %jit3A_49 : i32
    %sign3A_51 = arith.constant 0 : i32
    %sign3A_52 = arith.cmpi sgt, %mul3A_2, %sign3A_51 : i32
    %sign3A_53 = arith.extui %sign3A_52 : i1 to i32
    %sign3A_54 = arith.constant 0 : i32
    %sign3A_55 = arith.cmpi slt, %mul3A_2, %sign3A_54 : i32
    %sign3A_56 = arith.extui %sign3A_55 : i1 to i32
    %sign3A_57 = arith.subi %sign3A_53, %sign3A_56 : i32
    %sign3A_58 = arith.constant 0 : i32
    %sign3A_59 = arith.cmpi sgt, %jit3A_49, %sign3A_58 : i32
    %sign3A_60 = arith.extui %sign3A_59 : i1 to i32
    %sign3A_61 = arith.constant 0 : i32
    %sign3A_62 = arith.cmpi slt, %jit3A_49, %sign3A_61 : i32
    %sign3A_63 = arith.extui %sign3A_62 : i1 to i32
    %sign3A_64 = arith.subi %sign3A_60, %sign3A_63 : i32
    %ne3A_65 = arith.cmpi ne, %sign3A_57, %sign3A_64 : i32
    %rem3A_66 = arith.remsi %mul3A_2, %jit3A_49 : i32
    %ne3A_67 = arith.constant 0 : i32
    %ne3A_68 = arith.cmpi ne, %rem3A_66, %ne3A_67 : i32
    %and3A_69 = arith.andi %ne3A_65, %ne3A_68 : i1
    %sub3A_70 = arith.constant 1 : i32
    %sub3A_71 = arith.subi %div3A_50, %sub3A_70 : i32
    %select_n3A_72 = arith.select %and3A_69, %sub3A_71, %div3A_50 : i32
    %jit3A_73 = arith.constant 4 : i32
    %eq3A_74 = arith.constant 0 : i32
    %eq3A_75 = arith.cmpi eq, %jit3A_73, %eq3A_74 : i32
    %jit3A_76 = arith.constant 1 : i32
    %select_n3A_77 = arith.select %eq3A_75, %jit3A_76, %jit3A_73 : i32
    %rem3A_78 = arith.remsi %mul3A_2, %select_n3A_77 : i32
    %ne3A_79 = arith.constant 0 : i32
    %ne3A_80 = arith.cmpi ne, %rem3A_78, %ne3A_79 : i32
    %lt3A_81 = arith.constant 0 : i32
    %lt3A_82 = arith.cmpi slt, %rem3A_78, %lt3A_81 : i32
    %lt3A_83 = arith.constant 0 : i32
    %lt3A_84 = arith.cmpi slt, %select_n3A_77, %lt3A_83 : i32
    %ne3A_85 = arith.xori %lt3A_82, %lt3A_84 : i1
    %and3A_86 = arith.andi %ne3A_85, %ne3A_80 : i1
    %add3A_87 = arith.addi %rem3A_78, %select_n3A_77 : i32
    %select_n3A_88 = arith.select %and3A_86, %add3A_87, %rem3A_78 : i32
    %dma_wait3A = arith.constant 0 : i32
    %dma_wait3A_89 = tpu.memref_slice %arg2[%select_n3A_72, %select_n3A_88, %dma_wait3A] : memref<64x4x100000xf32, #tpu.memory_space<hbm>> -> memref<1x1x100000xf32, #tpu.memory_space<hbm>>
    %dma_wait3A_90 = tpu.memref_squeeze %dma_wait3A_89 : memref<1x1x100000xf32, #tpu.memory_space<hbm>> -> memref<100000xf32, #tpu.memory_space<hbm>>
    %dma_wait3A_91 = arith.constant 0 : i32
    %dma_wait3A_92 = tpu.memref_slice %arg2[%select_n3A_72, %select_n3A_88, %dma_wait3A_91] : memref<64x4x100000xf32, #tpu.memory_space<hbm>> -> memref<1x1x100000xf32, #tpu.memory_space<hbm>>
    %dma_wait3A_93 = tpu.memref_squeeze %dma_wait3A_92 : memref<1x1x100000xf32, #tpu.memory_space<hbm>> -> memref<100000xf32, #tpu.memory_space<hbm>>
    tpu.wait_dma2 semaphore(%arg19 : memref<!tpu.dma_semaphore, #tpu.memory_space<semaphore_mem>>) src(%dma_wait3A_93 : memref<100000xf32, #tpu.memory_space<hbm>>) dst(%arg7 : memref<100000xf32, #tpu.memory_space<vmem>>)
    "tpu.region"() ({
      %run_scoped3A = tpu.sem_alloc : memref<!tpu.dma_semaphore, #tpu.memory_space<semaphore_mem>>
      %dma_start3A_94 = tpu.memref_slice %arg5[%mul3A_2] : memref<256xf32, #tpu.memory_space<hbm>> -> memref<8xf32, #tpu.memory_space<hbm>>
      %dma_start3A_95 = tpu.memref_slice %arg5[%mul3A_2] : memref<256xf32, #tpu.memory_space<hbm>> -> memref<8xf32, #tpu.memory_space<hbm>>
      tpu.enqueue_dma source(%arg17 : memref<8xf32, #tpu.memory_space<vmem>>) target(%dma_start3A_95 : memref<8xf32, #tpu.memory_space<hbm>>) target_semaphore(%run_scoped3A : memref<!tpu.dma_semaphore, #tpu.memory_space<semaphore_mem>>)
      %dma_wait3A_96 = tpu.memref_slice %arg5[%mul3A_2] : memref<256xf32, #tpu.memory_space<hbm>> -> memref<8xf32, #tpu.memory_space<hbm>>
      %dma_wait3A_97 = tpu.memref_slice %arg5[%mul3A_2] : memref<256xf32, #tpu.memory_space<hbm>> -> memref<8xf32, #tpu.memory_space<hbm>>
      tpu.wait_dma2 semaphore(%run_scoped3A : memref<!tpu.dma_semaphore, #tpu.memory_space<semaphore_mem>>) src(%arg17 : memref<8xf32, #tpu.memory_space<vmem>>) dst(%dma_wait3A_97 : memref<8xf32, #tpu.memory_space<hbm>>)
      tpu.yield
    }) : () -> ()
    "tpu.region"() ({
      %run_scoped3A = tpu.sem_alloc : memref<!tpu.dma_semaphore, #tpu.memory_space<semaphore_mem>>
      %dma_start3A_94 = tpu.memref_slice %arg6[%mul3A_2] : memref<256xi32, #tpu.memory_space<hbm>> -> memref<8xi32, #tpu.memory_space<hbm>>
      %dma_start3A_95 = tpu.memref_slice %arg6[%mul3A_2] : memref<256xi32, #tpu.memory_space<hbm>> -> memref<8xi32, #tpu.memory_space<hbm>>
      tpu.enqueue_dma source(%arg18 : memref<8xi32, #tpu.memory_space<vmem>>) target(%dma_start3A_95 : memref<8xi32, #tpu.memory_space<hbm>>) target_semaphore(%run_scoped3A : memref<!tpu.dma_semaphore, #tpu.memory_space<semaphore_mem>>)
      %dma_wait3A_96 = tpu.memref_slice %arg6[%mul3A_2] : memref<256xi32, #tpu.memory_space<hbm>> -> memref<8xi32, #tpu.memory_space<hbm>>
      %dma_wait3A_97 = tpu.memref_slice %arg6[%mul3A_2] : memref<256xi32, #tpu.memory_space<hbm>> -> memref<8xi32, #tpu.memory_space<hbm>>
      tpu.wait_dma2 semaphore(%run_scoped3A : memref<!tpu.dma_semaphore, #tpu.memory_space<semaphore_mem>>) src(%arg18 : memref<8xi32, #tpu.memory_space<vmem>>) dst(%dma_wait3A_97 : memref<8xi32, #tpu.memory_space<hbm>>)
      tpu.yield
    }) : () -> ()
    return
  }
}

</mosaic_0001>

<sc_bundles>
// kernel: kernel.3.cloned.1.call-start
scs
__scs_entry_jumppad:
0x0: {  	(pc) =	sbr.rel $0x88, $3  }
0x1: {  	(tag) =	ssettag $0x0;
	lr =	simm.s32 $0x1  }
0x2: {  	[smem:$0x3F9E] =	sst lr;
	_ =	strace $0xD0000000  }
0x3: {  	_ = 	snop  }
0x4: {  	_ = 	snop  }
0x5: {  	_ = 	snop  }
0x6: {  	_ = 	snop  }
0x7: {  	_ = 	snop  }
__scs_overlays_trampoline_lowered:
0x8: {  	[smem:$0x3FAD] =	sst s0  }
0x9: {  	[smem:$0x3FAE] =	sst s1  }
0xa: {  	[smem:$0x3FAF] =	sst s2  }
0xb: {  	[smem:$0x3FB0] =	sst s3  }
0xc: {  	[smem:$0x3FB1] =	sst s4  }
0xd: {  	[smem:$0x3FB2] =	sst s5  }
0xe: {  	[smem:$0x3FB3] =	sst s6  }
0xf: {  	[smem:$0x3FB4] =	sst s7  }
0x10: {  	[smem:$0x3FB5] =	sst s8  }
0x11: {  	[smem:$0x3FB6] =	sst s9;
	s0 =	simm.s32 @!p0 $0x0  }
0x12: {  	s1 =	sld [smem:$0x3F9C];
	s0 =	simm.s32 @p0 $0x1  }
0x13: {  	[smem:$0x3FB7] =	sst s0;
	s0 =	simm.s32 @!p1 $0x0  }
0x14: {  	s2 =	sld [smem:$0x3F9B];
	s0 =	simm.s32 @p1 $0x1  }
0x15: {  	[smem:$0x3FB8] =	sst s0;
	s0 =	simm.s32 @!p2 $0x0  }
0x16: {  	s3 =	sld [smem:$0x3FDB];
	s0 =	simm.s32 @p2 $0x1  }
0x17: {  	s4 =	simm.s32 $0x1BF5;
	[smem:$0x3FBA] =	sst s0  }
0x18: {  	s0 =	sld [smem:$0x3F9D];
	_ =	swait.ge [sflag:s4], $0x0  }
0x19: {  	s7 =	sld [smem:$0x3F9E]  }
0x1a: {  	s8 =	sadd.s32 $0xFFFFE003, lr  }
0x1b: {  	s9 =	sadd.s32 $0xFFFFFEF7, lr;
	s5 =	simm.s32 $0xFFFFFFFF;
	p2 =	slt.u32 s8, $0xFFFFF086  }
0x1c: {  	p1 =	slt.u32 s9, $0xF7A;
	s5 =	simm.s32 @!p2 $0x0  }
0x1d: {  	s5 =	simm.s32 @p1 $0x1;
	p0 =	seq.s32 s7, s2  }
0x1e: {  	s7 =	smul.u32 @!p0 $0xF7A, s2;
	p2 =	seq.s32 @!p0 s5, $0x0  }
0x1f: {  	s9 =	smul.u32 $0xF7A, s1;
	s8 =	simm.s32 @!p0 $0x1BF5;
	p2 =	por !p2, p0  }
0x20: {  	[sflag:s8] =	ssyncset.s32 @!p0 $0xFFFFF086;
	s6 =	sadd.s32 @!p0 s3, s7;
	s7 =	simm.s32 @!p0 $0x108  }
0x21: {  	s3 =	sadd.s32 s3, s9;
	s6 =	sadd.s32 @!p0 $0x88, s6;
	s7 =	simm.s32 @p2 $0x1082  }
0x22: {  	[simem:s7], [sflag:s8] =	dma.local @!p0 [hbm:s6], $0xF7A  }
0x23: {  	s9 =	sor.u32 $0xD0000000, s2;
	s6 =	simm.s32 $0x108;
	_ =	swait.ge @!p0 [sflag:s8], $0x0  }
0x24: {  	s3 =	sadd.s32 $0x88, s3;
	s6 =	simm.s32 @!p1 $0x1082;
	[sflag:s4] =	ssyncset.s32 $0xFFFFF086  }
0x25: {  	[simem:s6], [sflag:s4] =	dma.local [hbm:s3], $0xF7A  }
0x26: {  	[smem:$0x3F9E] =	sst s1;
	(tag) =	ssettag s2;
	_ =	strace s9  }
0x27: {  	s1 =	sld [smem:$0x3FAE]  }
0x28: {  	s2 =	sld [smem:$0x3FAF]  }
0x29: {  	s4 =	sld [smem:$0x3FB1]  }
0x2a: {  	p0 =	seq.s32 s5, $0x0;
	s5 =	sld [smem:$0x3FB2]  }
0x2b: {  	s6 =	sld [smem:$0x3FB3]  }
0x2c: {  	s7 =	sld [smem:$0x3FB4]  }
0x2d: {  	s3 =	simm.s32 $0x108;
	s8 =	sld [smem:$0x3FB5]  }
0x2e: {  	s3 =	simm.s32 @!p0 $0x1082;
	s9 =	sld [smem:$0x3FB6]  }
0x2f: {  	lr =	sadd.s32 s0, s3;
	s0 =	sld [smem:$0x3FAD]  }
0x30: {  	s3 =	sld [smem:$0x3FB0]  }
0x31: {  	[smem:$0x3FB9] =	sst s10  }
0x32: {  	s10 =	sld [smem:$0x3FB7];
	_ =	sdelay $0x3  }
0x33: {  	p0 =	seq.s32 s10, $0x1;
	s10 =	sld [smem:$0x3FB9];
	_ =	sdelay $0x3  }
0x34: {  	[smem:$0x3FB9] =	sst s10  }
0x35: {  	s10 =	sld [smem:$0x3FB8];
	_ =	sdelay $0x3  }
0x36: {  	p1 =	seq.s32 s10, $0x1;
	s10 =	sld [smem:$0x3FB9];
	_ =	sdelay $0x3  }
0x37: {  	[smem:$0x3FB9] =	sst s10  }
0x38: {  	s10 =	sld [smem:$0x3FBA]  }
0x39: {  	_ = 	snop;
	(pc) =	sbr.ind lr, $3  }
0x3a: {  	_ = 	snop  }
0x3b: {  	_ = 	snop  }
0x3c: {  	p2 =	seq.s32 s10, $0x1;
	s10 =	sld [smem:$0x3FB9]  }
0x3d: {  	_ =	shalt  }
0x3e: {  	_ =	shalt  }
0x3f: {  	_ =	shalt  }
0x40: {  	_ =	shalt  }
0x41: {  	_ =	shalt  }
0x42: {  	_ =	shalt  }
0x43: {  	_ =	shalt  }
0x44: {  	_ =	shalt  }
0x45: {  	_ =	shalt  }
0x46: {  	_ =	shalt  }
0x47: {  	_ =	shalt  }
0x48: {  	_ =	shalt  }
0x49: {  	_ =	shalt  }
0x4a: {  	_ =	shalt  }
0x4b: {  	_ =	shalt  }
0x4c: {  	_ =	shalt  }
0x4d: {  	_ =	shalt  }
0x4e: {  	_ =	shalt  }
0x4f: {  	_ =	shalt  }
0x50: {  	_ =	shalt  }
0x51: {  	_ =	shalt  }
0x52: {  	_ =	shalt  }
0x53: {  	_ =	shalt  }
0x54: {  	_ =	shalt  }
0x55: {  	_ =	shalt  }
0x56: {  	_ =	shalt  }
0x57: {  	_ =	shalt  }
0x58: {  	_ =	shalt  }
0x59: {  	_ =	shalt  }
0x5a: {  	_ =	shalt  }
0x5b: {  	_ =	shalt  }
0x5c: {  	_ =	shalt  }
0x5d: {  	_ =	shalt  }
0x5e: {  	_ =	shalt  }
0x5f: {  	_ =	shalt  }
0x60: {  	_ =	shalt  }
0x61: {  	_ =	shalt  }
0x62: {  	_ =	shalt  }
0x63: {  	_ =	shalt  }
0x64: {  	_ =	shalt  }
0x65: {  	_ =	shalt  }
0x66: {  	_ =	shalt  }
0x67: {  	_ =	shalt  }
0x68: {  	_ =	shalt  }
0x69: {  	_ =	shalt  }
0x6a: {  	_ =	shalt  }
0x6b: {  	_ =	shalt  }
0x6c: {  	_ =	shalt  }
0x6d: {  	_ =	shalt  }
0x6e: {  	_ =	shalt  }
0x6f: {  	_ =	shalt  }
0x70: {  	_ =	shalt  }
0x71: {  	_ =	shalt  }
0x72: {  	_ =	shalt  }
0x73: {  	_ =	shalt  }
0x74: {  	_ =	shalt  }
0x75: {  	_ =	shalt  }
0x76: {  	_ =	shalt  }
0x77: {  	_ =	shalt  }
0x78: {  	_ =	shalt  }
0x79: {  	_ =	shalt  }
0x7a: {  	_ =	shalt  }
0x7b: {  	_ =	shalt  }
0x7c: {  	_ =	shalt  }
0x7d: {  	_ =	shalt  }
0x7e: {  	_ =	shalt  }
0x7f: {  	_ =	shalt  }
0x80: {  	_ =	shalt  }
0x81: {  	_ =	shalt  }
0x82: {  	_ =	shalt  }
0x83: {  	_ =	shalt  }
0x84: {  	_ =	shalt  }
0x85: {  	_ =	shalt  }
0x86: {  	_ =	shalt  }
0x87: {  	_ =	shalt  }
.Lfunc_end0:
.L_simem_size_0:
called_computation_lowered:
.L_overlay_start_0:
0x88: {  	s2 =	sld [smem:$0x3FD9]  }
0x89: {  	s3 =	sld [smem:$0x3FFE];
	_ =	sdelay $0x1  }
0x8a: {  	s1 =	srdreg.scid  }
0x8b: {  	s0 =	sand.u32 $0x1, s1  }
0x8c: {  	s14 =	sshll.u32 s0, $0xA;
	s2 =	sadd.s32 s3, s2  }
0x8d: {  	s2 =	sadd.s32 s2, s14  }
0x8e: {  	[smem:$0x3FC5] =	sst s2  }
0x8f: {  	_ = 	snop  }
0x90: {  	s2 =	sld [smem:$0x3FD0];
	_ =	sdelay $0x2  }
0x91: {  	s4 =	simm.s32 $0xA;
	s5 =	simm.s32 $0x10;
	s15 =	sld [smem:$0x3FC8]  }
0x92: {  	[smem:s5], [sflag:s4] =	dma.local [hbm:s2], $0x1  }
0x93: {  	_ =	swait.eq [sflag:s4], $0x1  }
0x94: {  	[sflag:s4] =	ssyncset.done $0x0  }
0x95: {  	s16 =	sld [smem:$0x11];
	[sflag:s4] =	ssyncadd.s32 $0xFFFFFFFF  }
0x96: {  	s17 =	sld [smem:$0x12];
	(tm) =	ssettm $0x1  }
0x97: {  	s18 =	sld [smem:$0x3FFB];
	_ =	sdelay $0x3  }
0x98: {  	_ =	strace s18  }
0x99: {  	s5 =	sld [smem:$0x3FFC];
	_ =	sdelay $0x3  }
0x9a: {  	_ =	strace s5  }
0x9b: {  	s5 =	sld [smem:$0x3FFD];
	_ =	sdelay $0x3  }
0x9c: {  	_ =	strace s5  }
0x9d: {  	_ =	strace $0x8FFFFFFF  }
0x9e: {  	s19 =	sld [smem:$0x3FDB];
	_ =	sdelay $0x1  }
0x9f: {  	s6 =	simm.s32 $_scs_section_size  }
0xa0: {  	s7 =	simm.s32 $_size__tile_overlayer_lowered;
	s8 =	simm.s32 $_tile_overlayer_lowered  }
0xa1: {  	s22 =	simm.s32 $0x1BFF;
	s21 =	sshll.u32 s8, $0x1;
	s5 =	sadd.s32 s6, s19  }
0xa2: {  	s9 =	simm.s32 $0x0;
	s20 =	sshll.u32 s7, $0x1;
	s7 =	sadd.s32 s21, s5  }
0xa3: {  	[timem:s9], [sflag:s22] =	dma.local [hbm:s7], s20  }
0xa4: {  	_ =	swait.ge [sflag:s22], s20  }
0xa5: {  	s6 =	ssub.s32 $0x0, s20;
	[sflag:s22] =	ssyncset.done $0x0  }
0xa6: {  	[sflag:s22] =	ssyncadd.s32 s6;
	_ =	sdelay $0x1  }
0xa7: {  	s23 =	simm.s32 $0x1B8B  }
0xa8: {  	_ =	swait.ge [sflag:s23], $0x1  }
0xa9: {  	[sflag:s23] =	ssyncset.done $0x0  }
0xaa: {  	s25 =	simm.s32 $0x1B8E;
	s24 =	sld [smem:$0x3FFE];
	[sflag:s23] =	ssyncadd.s32 $0xFFFFFFFF  }
0xab: {  	s26 =	simm.s32 $execute0_lowered;
	[smem:$0x3FD2] =	sst s25  }
0xac: {  	s7 =	sshll.u32 s26, $0x1;
	_ =	strace $0x80000046;
	[dreg:$0x1] =	wrdreg $0xFFFFFFFF  }
0xad: {  	s28 =	simm.s32 $_size_execute0_lowered;
	s5 =	sadd.s32 s5, s7;
	[dreg:$0x0] =	wrdreg $0x0  }
0xae: {  	s7 =	sshll.u32 s28, $0x1;
	[dreg:$0x2] =	wrdreg s5  }
0xaf: {  	[dreg:$0x3] =	wrdreg s7  }
0xb0: {  	[dreg:$0x4] =	wrdreg $0xC0  }
0xb1: {  	_ =	task [dreg:s9], $0x5FFFF  }
0xb2: {  	[dreg:$0x1] =	wrdreg $0xFFFFFFFF  }
0xb3: {  	[dreg:$0x0] =	wrdreg $0x60  }
0xb4: {  	[dreg:$0x2] =	wrdreg s15  }
0xb5: {  	[dreg:$0x3] =	wrdreg s24  }
0xb6: {  	[dreg:$0x4] =	wrdreg s17  }
0xb7: {  	[dreg:$0x5] =	wrdreg s16  }
0xb8: {  	[dreg:$0x6] =	wrdreg $0x9  }
0xb9: {  	_ =	task.clear_ibuf [dreg:s9], $0x7FFFF;
	_ =	strace $0x90000046  }
0xba: {  	s29 =	simm.s32 $0x9;
	_ =	strace $0x80000048  }
0xbb: {  	_ =	swait.ge [sflag:s29], $0x1  }
0xbc: {  	[sflag:s29] =	ssyncadd.s32 $0xFFFFFFFF  }
0xbd: {  	_ =	strace $0x90000048  }
0xbe: {  	_ =	sfence  }
0xbf: {  	s30 =	sld [smem:$0x0];
	_ =	sdelay $0x2  }
0xc0: {  	s31 =	sshll.u32 s1, $0xD;
	s1 =	sshrl.u32 s1, $0x2  }
0xc1: {  	s3 =	sand.u32 $0x4000, s31;
	s1 =	sadd.s32 s1, s30  }
0xc2: {  	s0 =	sor.u32 s3, s0;
	s1 =	sshll.u32 s1, $0x11  }
0xc3: {  	s0 =	sor.u32 s1, s0  }
0xc4: {  	s0 =	sadd.s32 $0x8F2B, s0  }
0xc5: {  	[sflag:s0] =	ssyncadd.remote.s32 $0x1  }
0xc6: {  	_ =	sfence.sel $0xFFFF  }
0xc7: {  	[dreg:$0x0] =	wrdreg $0xFFFFFFFF;
	(pc) =	sbr.abs _section_cstart, $3  }
0xc8: {  	[dreg:$0x1] =	wrdreg $0xFFFFFFFF  }
0xc9: {  	_ =	task.clear_ibuf [dreg:s9], $0x2FFFF;
	_ =	strace $0x9FFFFFFF  }
0xca: {  	(tm) =	ssettm $0x7FFFFFFF  }
0xcb: {  	_ =	shalt  }
tec
execute0_lowered:
.L_overlay_start_1:
0x0: {  	(tag) =	ssettag $0x1  }
0x1: {  	s1 =	rddreg [dreg:$0x0]  }
0x2: {  	s0 =	rddreg [dreg:$0x1]  }
0x3: {  	s2 =	rddreg [dreg:$0x2]  }
0x4: {  	s6 =	rddreg [dreg:$0x3]  }
0x5: {  	s3 =	srdreg.scid;
	s7 =	stileid.u32;
	s12 =	simm.s32 $0x19B80  }
0x6: {  	s13 =	simm.s32 $0x2;
	s14 =	simm.s32 $0x80;
	s15 =	simm.s32 $0x200  }
0x7: {  	s16 =	simm.s32 $0x19B00;
	s17 =	simm.s32 $0x1;
	s18 =	simm.s32 $0x18700  }
0x8: {  	s19 =	simm.s32 $0x19700;
	s20 =	simm.s32 $0x19800;
	s21 =	simm.s32 $0x19A00  }
0x9: {  	s22 =	simm.s32 $0x19A80;
	s5 =	sand.u32 $0x1, s3;
	s3 =	simm.s32 $0x0  }
0xa: {  	s7 =	sshll.u32 s7, $0x3;
	s4 =	sshll.u32 s5, $0x7;
	[smem:$0x7FF] =	sst s3  }
0xb: {  	s8 =	ssub.s32 $0x2, s5;
	s5 =	sadd.s32 $0x800, s0;
	s4 =	sor.u32 s7, s4  }
0xc: {  	_ =	strace $0x80000047;
	s10 =	sshrl.u32 s8, $0x1;
	s9 =	sshrl.u32 s4, $0x3  }
0xd: {  	s7 =	sshrl.u32 s4, $0x2;
	s11 =	ssub.s32 s8, s10;
	s2 =	sadd.s32 s2, s9  }
0xe: {  	s7 =	smul.u32 $0xC380, s7;
	s30 =	sadd.s32 s6, s9;
	[dreg:$0x5] =	wrdreg s2  }
0xf: {  	v0 =	vlaneseq.u32;
	s0 =	sadd.s32 s9, s0;
	s31 =	smax.u32 s11, $0x1;
	[dreg:$0x7] =	wrdreg s30  }
0x10: {  	s23 =	simm.s32 $0x19C00;
	v3 =	vmul.u32 $0xFFFFFFFF, v0;
	s0 =	sadd.s32 $0x1000, s0;
	[dreg:$0x9] =	wrdreg s31  }
0x11: {  	v1 =	vimm.s32 $0x0;
	s24 =	simm.s32 $0x19C80;
	s29 =	sadd.s32 s1, s7;
	[dreg:$0x8] =	wrdreg s0  }
0x12: {  	v2 =	vimm.s32 $0x1;
	v4 =	vimm.s32 $0x80000000;
	v3 =	vadd.s32 $0xF, v3;
	s8 =	sor.u32 $0x7, s4;
	s2 =	simm.s32 $0x0;
	[dreg:$0x6] =	wrdreg s29  }
.LBB2_1:
0x13: {  	[dreg:$0xa] =	wrdreg s2  }
0x14: {  	s0 =	rddreg [dreg:$0x5]  }
0x15: {  	[tilespmem:s12], [sflag:$0x2] =	stream.linear.gather [hbm4b:s0+s3], $0x8, $0x38;
	[tilespmem:$0x19D00] =	vst v63  }
0x16: {  	_ =	swait.ge [sflag:s13], $0x8  }
0x17: {  	[sflag:s13] =	ssyncset.done $0x0  }
0x18: {  	s26 =	simm.s32 $0x0;
	s31 =	rddreg [dreg:$0x6];
	[sflag:s13] =	ssyncadd.s32 $0xFFFFFFF8  }
0x19: {  	[tilespmem:s3], [sflag:$0x1] =	stream.strided.gather [hbm4b:s31+s14], $0x18700, s15, s14, $0x38;
	[tilespmem:$0x19D00] =	vst v63  }
.LBB2_2:
0x1a: {  	s28 =	sor.u32 s4, s26  }
0x1b: {  	s0 =	sshll.u32 s28, $0x3  }
0x1c: {  	s0 =	sadd.s32 s5, s0  }
0x1d: {  	[tilespmem:s16], [sflag:$0x2] =	stream.linear.gather [hbm4b:s0+s3], $0x40, $0x38;
	[tilespmem:$0x19D00] =	vst v63  }
0x1e: {  	_ =	swait.ge [sflag:s13], $0x40  }
0x1f: {  	[sflag:s13] =	ssyncset.done $0x0  }
0x20: {  	[sflag:s13] =	ssyncadd.s32 $0xFFFFFFC0  }
0x21: {  	_ =	swait.ge [sflag:s17], $0x18700  }
0x22: {  	[sflag:s17] =	ssyncset.done $0x0  }
0x23: {  	s2 =	simm.s32 $0x18740;
	[sflag:s17] =	ssyncadd.s32 $0xFFFE7900  }
0x24: {  	[tilespmem:s2+$0xFFFFFFC0] =	vst v1  }
0x25: {  	[tilespmem:s2+$0x30] =	vst v1  }
0x26: {  	[tilespmem:s2+$0x20] =	vst v1  }
0x27: {  	[tilespmem:s2+$0x10] =	vst v1  }
0x28: {  	[tilespmem:s2+$0x0] =	vst v1  }
0x29: {  	[tilespmem:s2+$0xFFFFFFF0] =	vst v1  }
0x2a: {  	s6 =	simm.s32 $0x0;
	[tilespmem:s2+$0xFFFFFFE0] =	vst v1  }
.LBB2_3:
0x2b: {  	s6 =	sadd.s32 $0x8, s6;
	[tilespmem:s2+$0xFFFFFFD0] =	vst v1;
	s2 =	sadd.s32 $0x80, s2  }
0x2c: {  	[tilespmem:s2+$0xFFFFFFC0] =	vst v1;
	p0 =	slt.u32 s6, $0xF8  }
0x2d: {  	[tilespmem:s2+$0x30] =	vst v1  }
.Ltmp0:
0x2e: {  	[tilespmem:s2+$0x20] =	vst v1;
	(pc) =	sbr.rel @p0 .LBB2_3-.Ltmp0, $4  }
0x2f: {  	[tilespmem:s2+$0x10] =	vst v1  }
0x30: {  	[tilespmem:s2+$0x0] =	vst v1  }
0x31: {  	[tilespmem:s2+$0xFFFFFFF0] =	vst v1  }
0x32: {  	s0 =	simm.s32 $0x80;
	[tilespmem:s2+$0xFFFFFFE0] =	vst v1  }
0x33: {  	[tilespmem:s2+$0xFFFFFFD0] =	vst v1  }
0x34: {  	v5 =	vld [tilespmem:s0+$0xFFFFFF80]  }
0x35: {  	v6 =	vld [tilespmem:s0+$0x50]  }
0x36: {  	v7 =	vld [tilespmem:s0+$0xFFFFFFD0]  }
0x37: {  	v9 =	vld [tilespmem:s0+$0xFFFFFFE0]  }
0x38: {  	v10 =	vld [tilespmem:s0+$0xFFFFFFF0]  }
0x39: {  	v12 =	vld [tilespmem:s0+$0x0]  }
0x3a: {  	v14 =	vld [tilespmem:s0+$0x40]  }
0x3b: {  	v15 =	vld [tilespmem:s0+$0x20]  }
0x3c: {  	v16 =	vld [tilespmem:s0+$0xFFFFFFB0];
	v11 =	vshra.s32 v5, $0x14  }
0x3d: {  	v17 =	vld [tilespmem:s0+$0xFFFFFF90];
	vm0 =	vlt.s32 v5, $0x0;
	v5 =	vshra.s32 v6, $0x14;
	vm2 =	vlt.s32 v9, $0x0  }
0x3e: {  	vm3 =	vlt.s32 v10, $0x0;
	v19 =	vshra.s32 v9, $0x14;
	v13 =	vxor.u32 $0x7FF, v11  }
0x3f: {  	v11 =	vsel vm0, v13, v11;
	v13 =	vxor.u32 $0x7FF, v5;
	vm0 =	vlt.s32 v6, $0x0  }
0x40: {  	v18 =	vshra.s32 v10, $0x14;
	v20 =	vshra.s32 v7, $0x14;
	v5 =	vsel vm0, v13, v5;
	v13 =	vld [tilespmem:s0+$0xFFFFFFA0]  }
0x41: {  	vm5 =	vlt.s32 v7, $0x0;
	v21 =	vshra.s32 v14, $0x14;
	vm1 =	vlt.s32 v12, $0x0  }
0x42: {  	vm4 =	vlt.s32 v16, $0x0;
	vm6 =	vlt.s32 v15, $0x0;
	v9 =	vshra.s32 v17, $0x14  }
0x43: {  	vm8 =	vlt.s32 v14, $0x0;
	v14 =	vshra.s32 v15, $0x14;
	v5 =	vadd.s32 $0x800, v5  }
0x44: {  	v8 =	vld [tilespmem:s0+$0xFFFFFFC0];
	vm15 =	vlt.s32 v17, $0x0;
	v16 =	vshra.s32 v16, $0x14;
	v22 =	vxor.u32 $0x7FF, v20  }
0x45: {  	v23 =	vxor.u32 $0x7FF, v19;
	v11 =	vadd.s32 $0x800, v11;
	v7 =	vshra.s32 v13, $0x14  }
0x46: {  	v24 =	vxor.u32 $0x7FF, v18;
	vm7 =	vlt.s32 v13, $0x0;
	v10 =	vxor.u32 $0x7FF, v7  }
0x47: {  	v15 =	vld [tilespmem:s0+$0x30];
	v25 =	vxor.u32 $0x7FF, v21;
	v63 =	vxor.u32 $0x7FF, v16;
	v7 =	vsel vm7, v10, v7  }
0x48: {  	v6 =	vshra.s32 v12, $0x14;
	v13 =	vxor.u32 $0x7FF, v9;
	[tilespmem:v5+s18+$0x0] =	vst.idx.add.s32.msk $0xffff, v2;
	v5 =	vadd.s32 $0x800, v7  }
0x49: {  	v17 =	vld [tilespmem:s0+$0x70];
	v20 =	vsel vm5, v22, v20;
	vm0 =	vlt.s32 v8, $0x0;
	v10 =	vsel vm15, v13, v9  }
0x4a: {  	[tilespmem:v11+s18+$0x0] =	vst.idx.add.s32.msk $0xffff, v2;
	v9 =	vshra.s32 v8, $0x14;
	v8 =	vxor.u32 $0x7FF, v14;
	v11 =	vadd.s32 $0x800, v10  }
0x4b: {  	v16 =	vsel vm4, v63, v16;
	v13 =	vsel vm6, v8, v14;
	v14 =	vsel vm3, v24, v18;
	v18 =	vld [tilespmem:s0+$0x60]  }
0x4c: {  	v12 =	vxor.u32 $0x7FF, v6;
	v7 =	vld [tilespmem:s0+$0x10];
	v10 =	vxor.u32 $0x7FF, v9;
	v8 =	vsel vm2, v23, v19  }
0x4d: {  	s2 =	simm.s32 $0x180;
	s0 =	simm.s32 $0x0;
	v19 =	vsel vm8, v25, v21;
	v13 =	vadd.s32 $0x800, v13;
	[tilespmem:v5+s18+$0x0] =	vst.idx.add.s32.msk $0xffff, v2;
	v5 =	vadd.s32 $0x800, v20  }
.LBB2_5:
0x4e: {  	v20 =	vld [tilespmem:s2+$0xFFFFFF90];
	s0 =	sadd.s32 $0x10, s0;
	v9 =	vsel vm0, v10, v9;
	v10 =	vadd.s32 $0x800, v14;
	v14 =	vadd.s32 $0x800, v19  }
0x4f: {  	v6 =	vsel vm1, v12, v6;
	p0 =	slt.u32 s0, $0x1850;
	[tilespmem:v11+s18+$0x0] =	vst.idx.add.s32.msk $0xffff, v2;
	v11 =	vadd.s32 $0x800, v16  }
0x50: {  	vm0 =	vlt.s32 v15, $0x0;
	v12 =	vld [tilespmem:s2+$0xFFFFFF80];
	v16 =	vshra.s32 v18, $0x14;
	vm1 =	vlt.s32 v18, $0x0  }
0x51: {  	v15 =	vshra.s32 v15, $0x14;
	v18 =	vld [tilespmem:s2+$0x20];
	v19 =	vxor.u32 $0x7FF, v16;
	vm2 =	vlt.s32 v17, $0x0  }
0x52: {  	v9 =	vadd.s32 $0x800, v9;
	v17 =	vshra.s32 v17, $0x14;
	[tilespmem:v13+s18+$0x0] =	vst.idx.add.s32.msk $0xffff, v2;
	v13 =	vxor.u32 $0x7FF, v15  }
0x53: {  	v13 =	vsel vm0, v13, v15;
	[tilespmem:v14+s18+$0x0] =	vst.idx.add.s32.msk $0xffff, v2;
	v14 =	vsel vm1, v19, v16;
	v15 =	vxor.u32 $0x7FF, v17  }
0x54: {  	v16 =	vld [tilespmem:s2+$0xFFFFFFA0];
	v13 =	vadd.s32 $0x800, v13;
	v15 =	vsel vm2, v15, v17  }
0x55: {  	v17 =	vld [tilespmem:s2+$0x50]  }
0x56: {  	v22 =	vshra.s32 v7, $0x14;
	v14 =	vadd.s32 $0x800, v14;
	v19 =	vshra.s32 v12, $0x14;
	v21 =	vld [tilespmem:s2+$0xFFFFFFC0]  }
0x57: {  	v8 =	vadd.s32 $0x800, v8;
	v24 =	vxor.u32 $0x7FF, v22;
	vm0 =	vlt.s32 v7, $0x0;
	v23 =	vld [tilespmem:s2+$0xFFFFFFB0]  }
0x58: {  	v22 =	vsel vm0, v24, v22;
	vm1 =	vlt.s32 v12, $0x0;
	v7 =	vxor.u32 $0x7FF, v19;
	v12 =	vld [tilespmem:s2+$0xFFFFFFD0]  }
0x59: {  	v22 =	vadd.s32 $0x800, v22;
	v15 =	vadd.s32 $0x800, v15;
	v24 =	vld [tilespmem:s2+$0xFFFFFFE0]  }
0x5a: {  	v6 =	vadd.s32 $0x800, v6;
	v7 =	vsel vm1, v7, v19;
	v19 =	vld [tilespmem:s2+$0xFFFFFFF0];
	v25 =	vshra.s32 v17, $0x14  }
0x5b: {  	vm0 =	vlt.s32 v17, $0x0;
	v26 =	vld [tilespmem:s2+$0x0];
	v27 =	vxor.u32 $0x7FF, v25  }
0x5c: {  	v17 =	vsel vm0, v27, v25;
	[tilespmem:v14+s18+$0x0] =	vst.idx.add.s32.msk $0xffff, v2  }
0x5d: {  	v14 =	vld [tilespmem:s2+$0x40]  }
0x5e: {  	vm2 =	vlt.s32 v24, $0x0;
	[tilespmem:v15+s18+$0x0] =	vst.idx.add.s32.msk $0xffff, v2  }
0x5f: {  	vm0 =	vlt.s32 v21, $0x0;
	v15 =	vadd.s32 $0x800, v17;
	[tilespmem:v6+s18+$0x0] =	vst.idx.add.s32.msk $0xffff, v2  }
0x60: {  	v17 =	vadd.s32 $0x800, v7;
	vm3 =	vlt.s32 v19, $0x0;
	v6 =	vshra.s32 v26, $0x14;
	[tilespmem:v22+s18+$0x0] =	vst.idx.add.s32.msk $0xffff, v2  }
0x61: {  	v19 =	vshra.s32 v19, $0x14;
	v22 =	vshra.s32 v24, $0x14;
	[tilespmem:v13+s18+$0x0] =	vst.idx.add.s32.msk $0xffff, v2  }
0x62: {  	vm5 =	vlt.s32 v12, $0x0;
	v13 =	vshra.s32 v12, $0x14;
	v24 =	vshra.s32 v14, $0x14;
	[tilespmem:v8+s18+$0x0] =	vst.idx.add.s32.msk $0xffff, v2  }
0x63: {  	vm1 =	vlt.s32 v26, $0x0;
	v25 =	vxor.u32 $0x7FF, v22;
	v8 =	vxor.u32 $0x7FF, v13;
	[tilespmem:v5+s18+$0x0] =	vst.idx.add.s32.msk $0xffff, v2  }
0x64: {  	vm7 =	vlt.s32 v18, $0x0;
	vm4 =	vlt.s32 v23, $0x0;
	v5 =	vxor.u32 $0x7FF, v19;
	[tilespmem:v10+s18+$0x0] =	vst.idx.add.s32.msk $0xffff, v2  }
0x65: {  	vm8 =	vlt.s32 v16, $0x0;
	v7 =	vshra.s32 v16, $0x14;
	v26 =	vxor.u32 $0x7FF, v24;
	[tilespmem:v11+s18+$0x0] =	vst.idx.add.s32.msk $0xffff, v2  }
0x66: {  	vm6 =	vlt.s32 v14, $0x0;
	v10 =	vshra.s32 v20, $0x14;
	v11 =	vxor.u32 $0x7FF, v7;
	[tilespmem:v9+s18+$0x0] =	vst.idx.add.s32.msk $0xffff, v2  }
0x67: {  	v14 =	vshra.s32 v18, $0x14;
	v9 =	vxor.u32 $0x7FF, v10;
	v7 =	vsel vm8, v11, v7;
	[tilespmem:v15+s18+$0x0] =	vst.idx.add.s32.msk $0xffff, v2  }
0x68: {  	v12 =	vxor.u32 $0x7FF, v6;
	vm8 =	vlt.s32 v20, $0x0;
	v16 =	vadd.s32 $0x800, v7;
	v7 =	vld [tilespmem:s2+$0x10]  }
.Ltmp1:
0x69: {  	v10 =	vsel vm8, v9, v10;
	v9 =	vshra.s32 v21, $0x14;
	v15 =	vxor.u32 $0x7FF, v14;
	[tilespmem:v17+s18+$0x0] =	vst.idx.add.s32.msk $0xffff, v2;
	(pc) =	sbr.rel @p0 .LBB2_5-.Ltmp1, $4  }
0x6a: {  	v11 =	vadd.s32 $0x800, v10;
	v10 =	vxor.u32 $0x7FF, v9;
	v17 =	vsel vm7, v15, v14;
	v15 =	vld [tilespmem:s2+$0x30]  }
0x6b: {  	v20 =	vshra.s32 v23, $0x14;
	v21 =	vsel vm5, v8, v13;
	v14 =	vsel vm3, v5, v19;
	v18 =	vld [tilespmem:s2+$0x60]  }
0x6c: {  	v8 =	vsel vm2, v25, v22;
	v5 =	vxor.u32 $0x7FF, v20;
	v13 =	vadd.s32 $0x800, v17;
	v17 =	vld [tilespmem:s2+$0x70]  }
0x6d: {  	v19 =	vsel vm6, v26, v24;
	s2 =	sadd.s32 $0x100, s2;
	[tilespmem:v16+s18+$0x0] =	vst.idx.add.s32.msk $0xffff, v2;
	v16 =	vsel vm4, v5, v20;
	v5 =	vadd.s32 $0x800, v21  }
0x6e: {  	_ = 	snop  }
0x6f: {  	v6 =	vsel vm1, v12, v6;
	v19 =	vadd.s32 $0x800, v19  }
0x70: {  	v60 =	vshra.s32 v7, $0x14;
	vm15 =	vlt.s32 v7, $0x0;
	v8 =	vadd.s32 $0x800, v8  }
0x71: {  	v62 =	vadd.s32 $0x800, v14;
	v63 =	vadd.s32 $0x800, v16;
	vm2 =	vlt.s32 v15, $0x0  }
0x72: {  	[tilespmem:v11+s18+$0x0] =	vst.idx.add.s32.msk $0xffff, v2;
	v58 =	vshra.s32 v15, $0x14;
	v7 =	vxor.u32 $0x7FF, v60;
	v6 =	vadd.s32 $0x800, v6  }
0x73: {  	[tilespmem:v13+s18+$0x0] =	vst.idx.add.s32.msk $0xffff, v2;
	v55 =	vshra.s32 v18, $0x14;
	vm13 =	vlt.s32 v18, $0x0;
	v7 =	vsel vm15, v7, v60  }
0x74: {  	[tilespmem:v5+s18+$0x0] =	vst.idx.add.s32.msk $0xffff, v2;
	v61 =	vxor.u32 $0x7FF, v58;
	v56 =	vxor.u32 $0x7FF, v55;
	v57 =	vshra.s32 v17, $0x14  }
0x75: {  	vm14 =	vlt.s32 v17, $0x0;
	v11 =	vsel vm2, v61, v58;
	v7 =	vadd.s32 $0x800, v7;
	[tilespmem:v19+s18+$0x0] =	vst.idx.add.s32.msk $0xffff, v2  }
0x76: {  	v12 =	vsel vm13, v56, v55;
	v59 =	vxor.u32 $0x7FF, v57;
	v11 =	vadd.s32 $0x800, v11;
	[tilespmem:v8+s18+$0x0] =	vst.idx.add.s32.msk $0xffff, v2  }
0x77: {  	v17 =	vsel vm14, v59, v57;
	v12 =	vadd.s32 $0x800, v12;
	[tilespmem:v62+s18+$0x0] =	vst.idx.add.s32.msk $0xffff, v2  }
0x78: {  	v17 =	vadd.s32 $0x800, v17;
	[tilespmem:v6+s18+$0x0] =	vst.idx.add.s32.msk $0xffff, v2;
	v6 =	vsel vm0, v10, v9  }
0x79: {  	[tilespmem:v63+s18+$0x0] =	vst.idx.add.s32.msk $0xffff, v2;
	v6 =	vadd.s32 $0x800, v6  }
0x7a: {  	[tilespmem:v7+s18+$0x0] =	vst.idx.add.s32.msk $0xffff, v2  }
0x7b: {  	[tilespmem:v11+s18+$0x0] =	vst.idx.add.s32.msk $0xffff, v2  }
0x7c: {  	[tilespmem:v12+s18+$0x0] =	vst.idx.add.s32.msk $0xffff, v2  }
0x7d: {  	[tilespmem:v17+s18+$0x0] =	vst.idx.add.s32.msk $0xffff, v2  }
0x7e: {  	s2 =	simm.s32 $0x0;
	s6 =	simm.s32 $0x0;
	[tilespmem:v6+s18+$0x0] =	vst.idx.add.s32.msk $0xffff, v2  }
.LBB2_7:
0x7f: {  	s0 =	sshra.s32 s6, $0x2  }
0x80: {  	v5 =	vld [tilespmem:s0+$0x18600];
	_ =	sdelay $0x4  }
0x81: {  	v6 =	vshra.s32 v5, $0x14  }
0x82: {  	vm0 =	vlt.s32 v5, $0x0;
	v7 =	vxor.u32 $0x7FF, v6  }
0x83: {  	v5 =	vsel vm0, v7, v6  }
0x84: {  	p0 =	sne.s32 s6, $0x240;
	v5 =	vadd.s32 $0x800, v5  }
.Ltmp2:
0x85: {  	_ = 	snop;
	(pc) =	sbr.rel @p0 .LBB2_7-.Ltmp2, $2  }
0x86: {  	_ =	sdelay $0x2  }
0x87: {  	s6 =	sadd.s32 $0x40, s6;
	s9 =	simm.s32 $0x19700;
	s0 =	simm.s32 $0xFFFFF001;
	[tilespmem:v5+s18+$0x0] =	vst.idx.add.s32.msk $0xffff, v2  }
.LBB2_8:
0x88: {  	v5 =	vld [tilespmem:s9+$0xFFFFFFF0];
	_ =	sdelay $0x4  }
0x89: {  	(xrf0) =	vadd.scan.msk.s32 $0xffff, v5;
	_ =	sdelay $0x5  }
0x8a: {  	v5, _, _ =	vpop (xrf0)  }
0x8b: {  	(v2sf) =	vpush v5, $0xF;
	_ =	sdelay $0xe  }
0x8c: {  	s7 =	smov.u32 s2;
	s31 =	spop (v2sf)  }
0x8d: {  	p0 =	seq.s32 s0, $0xFFFFFFF1;
	s2 =	sadd.s32 s7, s31  }
0x8e: {  	p1 =	slt.s32 @!p0 s2, $0x40  }
0x8f: {  	p0 =	por p0, !p1  }
.Ltmp3:
0x90: {  	_ = 	snop;
	(pc) =	sbr.rel @!p0 .LBB2_8-.Ltmp3, $2  }
0x91: {  	_ =	sdelay $0x2  }
0x92: {  	s6 =	smov.u32 s9;
	s9 =	sadd.s32 $0xFFFFFFF0, s9;
	s0 =	sadd.s32 $0x10, s0  }
0x93: {  	v5 =	vld [tilespmem:s6+$0xFFFFFFF0];
	_ =	sdelay $0x4  }
0x94: {  	v6 =	vperm.xlane v5, v3;
	_ =	sdelay $0x1  }
0x95: {  	(xrf0) =	vadd.scan.msk.s32 $0xffff, v6;
	_ =	sdelay $0x5  }
0x96: {  	v6, _, _ =	vpop (xrf0)  }
0x97: {  	v6 =	vperm.xlane v6, v3;
	_ =	sdelay $0x1  }
0x98: {  	v6 =	vadd.s32 s7, v6  }
0x99: {  	vm0 =	vgt.s32 v6, $0x3F  }
0x9a: {  	v7 =	vsel vm0, $0x1, v1  }
0x9b: {  	(xrf0) =	vadd.scan.msk.s32 $0xffff, v7;
	_ =	sdelay $0x5  }
0x9c: {  	v7, _, _ =	vpop (xrf0)  }
0x9d: {  	(v2sf) =	vpush v7, $0xF;
	_ =	sdelay $0xe  }
0x9e: {  	s31 =	spop (v2sf)  }
0x9f: {  	s2 =	sadd.s32 $0xFFFFFFFF, s31  }
0xa0: {  	v7 =	vmov s2  }
0xa1: {  	vm0 =	veq.s32 v7, v0  }
0xa2: {  	v6 =	vnsel vm0, $0x0, v6  }
0xa3: {  	(xrf0) =	vadd.scan.msk.s32 $0xffff, v6;
	_ =	sdelay $0x5  }
0xa4: {  	v6, _, _ =	vpop (xrf0)  }
0xa5: {  	(v2sf) =	vpush v6, $0xF;
	_ =	sdelay $0xe  }
0xa6: {  	s2 =	spop (v2sf)  }
0xa7: {  	p0 =	slt.s32 s2, $0xF1  }
.Ltmp4:
0xa8: {  	_ = 	snop;
	(pc) =	sbr.rel @p0 .LBB2_25-.Ltmp4, $4  }
0xa9: {  	_ = 	snop  }
0xaa: {  	s0 =	ssub.s32 s31, s0  }
0xab: {  	s0 =	sshll.u32 s0, $0x14  }
0xac: {  	s29 =	sxor.u32 $0x80000000, s0  }
0xad: {  	v5 =	vnsel vm0, $0x0, v5  }
0xae: {  	(xrf0) =	vadd.scan.msk.s32 $0xffff, v5;
	_ =	sdelay $0x5  }
0xaf: {  	v5, _, _ =	vpop (xrf0)  }
0xb0: {  	(v2sf) =	vpush v5, $0xF;
	_ =	sdelay $0xb  }
.Ltmp5:
0xb1: {  	_ = 	snop;
	(pc) =	sbr.rel .LBB2_11-.Ltmp5, $3  }
0xb2: {  	_ =	sdelay $0x1  }
0xb3: {  	s0 =	spop (v2sf)  }
0xb4: {  	s30 =	simm.s32 $0x1;
	s31 =	ssub.s32 s2, s0  }
.LBB2_19:
0xb5: {  	s7 =	smov.u32 @p0 s7  }
0xb6: {  	s2 =	smov.u32 @p0 s2;
	s31 =	smov.u32 s7  }
.LBB2_20:
0xb7: {  	v5 =	vld [tilespmem:s2+$0x18700];
	_ =	sdelay $0x4  }
0xb8: {  	v6 =	vperm.xlane v5, v3;
	_ =	sdelay $0x1  }
0xb9: {  	(xrf0) =	vadd.scan.msk.s32 $0xffff, v6;
	_ =	sdelay $0x5  }
0xba: {  	v6, _, _ =	vpop (xrf0)  }
0xbb: {  	v6 =	vperm.xlane v6, v3;
	_ =	sdelay $0x1  }
0xbc: {  	v6 =	vadd.s32 s31, v6  }
0xbd: {  	vm0 =	vgt.s32 v6, $0x3F  }
0xbe: {  	v7 =	vsel vm0, $0x1, v1  }
0xbf: {  	(xrf0) =	vadd.scan.msk.s32 $0xffff, v7;
	_ =	sdelay $0x5  }
0xc0: {  	v7, _, _ =	vpop (xrf0)  }
0xc1: {  	(v2sf) =	vpush v7, $0xF;
	_ =	sdelay $0xe  }
0xc2: {  	s6 =	spop (v2sf)  }
0xc3: {  	s6 =	sadd.s32 $0xFFFFFFFF, s6  }
0xc4: {  	v7 =	vmov s6  }
0xc5: {  	vm15 =	veq.s32 v7, v0  }
0xc6: {  	v5 =	vnsel vm15, $0x0, v5  }
0xc7: {  	(xrf0) =	vadd.scan.msk.s32 $0xffff, v5;
	v5 =	vnsel vm15, $0x0, v6  }
0xc8: {  	(xrf0) =	vadd.scan.msk.s32 $0xffff, v5;
	_ =	sdelay $0x4  }
0xc9: {  	v5, _, _ =	vpop (xrf0)  }
0xca: {  	(v2sf) =	vpush v5, $0xF;
	v5, _, _ =	vpop (xrf0)  }
0xcb: {  	(v2sf) =	vpush v5, $0xF;
	_ =	sdelay $0xd  }
0xcc: {  	s7 =	spop (v2sf)  }
0xcd: {  	s9 =	spop (v2sf)  }
0xce: {  	p0 =	slt.s32 s9, $0xF1  }
0xcf: {  	p1 =	slt.u32 @!p0 s30, $0x2  }
0xd0: {  	p1 =	por p0, !p1  }
.Ltmp6:
0xd1: {  	_ = 	snop;
	(pc) =	sbr.rel @p1 .LBB2_21-.Ltmp6, $4  }
0xd2: {  	_ = 	snop  }
0xd3: {  	s25 =	sadd.s32 s2, s6  }
0xd4: {  	s0 =	sshll.u32 s25, s0  }
0xd5: {  	s29 =	sor.u32 s29, s0;
	s31 =	ssub.s32 s9, s7;
	s30 =	sadd.s32 $0x1, s30  }
.LBB2_11:
0xd6: {  	s0 =	simm.s32 $0x18740  }
0xd7: {  	[tilespmem:s0+$0xFFFFFFC0] =	vst v1  }
0xd8: {  	[tilespmem:s0+$0x30] =	vst v1  }
0xd9: {  	[tilespmem:s0+$0x20] =	vst v1  }
0xda: {  	[tilespmem:s0+$0x10] =	vst v1  }
0xdb: {  	[tilespmem:s0+$0x0] =	vst v1  }
0xdc: {  	[tilespmem:s0+$0xFFFFFFF0] =	vst v1  }
0xdd: {  	s2 =	simm.s32 $0x0;
	[tilespmem:s0+$0xFFFFFFE0] =	vst v1  }
.LBB2_12:
0xde: {  	s2 =	sadd.s32 $0x8, s2;
	[tilespmem:s0+$0xFFFFFFD0] =	vst v1;
	s0 =	sadd.s32 $0x80, s0  }
0xdf: {  	[tilespmem:s0+$0xFFFFFFC0] =	vst v1;
	p0 =	slt.u32 s2, $0xF8  }
0xe0: {  	[tilespmem:s0+$0x30] =	vst v1  }
.Ltmp7:
0xe1: {  	[tilespmem:s0+$0x20] =	vst v1;
	(pc) =	sbr.rel @p0 .LBB2_12-.Ltmp7, $4  }
0xe2: {  	[tilespmem:s0+$0x10] =	vst v1  }
0xe3: {  	[tilespmem:s0+$0x0] =	vst v1  }
0xe4: {  	[tilespmem:s0+$0xFFFFFFF0] =	vst v1  }
0xe5: {  	[tilespmem:s0+$0xFFFFFFE0] =	vst v1  }
0xe6: {  	[tilespmem:s0+$0xFFFFFFD0] =	vst v1;
	s6 =	simm.s32 $0x80  }
0xe7: {  	v8 =	vld [tilespmem:s6+$0x60]  }
0xe8: {  	v10 =	vld [tilespmem:s6+$0x10]  }
0xe9: {  	v17 =	vld [tilespmem:s6+$0xFFFFFFA0]  }
0xea: {  	v24 =	vld [tilespmem:s6+$0xFFFFFF80]  }
0xeb: {  	v23 =	vld [tilespmem:s6+$0x50]  }
0xec: {  	p0 =	seq.s32 s30, $0x1;
	s2 =	simm.s32 $0x14;
	v20 =	vld [tilespmem:s6+$0xFFFFFFB0]  }
0xed: {  	s0 =	simm.s32 $0x8;
	s2 =	simm.s32 @!p0 $0x8;
	v22 =	vld [tilespmem:s6+$0xFFFFFFF0]  }
0xee: {  	s0 =	simm.s32 @!p0 $0x0;
	v28 =	vld [tilespmem:s6+$0xFFFFFFE0];
	v5 =	vmov s2;
	s2 =	sshra.s32 s29, s2  }
0xef: {  	v9 =	vld [tilespmem:s6+$0x70];
	v7 =	vmov s0;
	v6 =	vmov s2  }
0xf0: {  	v13 =	vxor.u32 $0x7FFFFFFF, v8;
	vm0 =	vlt.s32 v8, $0x0;
	v14 =	vxor.u32 $0x7FFFFFFF, v10  }
0xf1: {  	vm1 =	vlt.s32 v10, $0x0;
	v26 =	vxor.u32 $0x7FFFFFFF, v17;
	vm6 =	vlt.s32 v24, $0x0  }
0xf2: {  	v11 =	vld [tilespmem:s6+$0x20];
	v27 =	vxor.u32 $0x7FFFFFFF, v23;
	v30 =	vxor.u32 $0x7FFFFFFF, v20;
	vm3 =	vlt.s32 v17, $0x0  }
0xf3: {  	v12 =	vld [tilespmem:s6+$0x30];
	v31 =	vxor.u32 $0x7FFFFFFF, v24;
	vm7 =	vlt.s32 v28, $0x0;
	vm4 =	vlt.s32 v22, $0x0  }
0xf4: {  	vm8 =	vlt.s32 v23, $0x0;
	v8 =	vsel vm0, v13, v8;
	vm0 =	vlt.s32 v9, $0x0  }
0xf5: {  	v15 =	vld [tilespmem:s6+$0x40];
	v16 =	vshra.s32 v8, v5;
	v19 =	vshra.s32 v8, v7;
	v8 =	vxor.u32 $0x7FFFFFFF, v9  }
0xf6: {  	v26 =	vsel vm3, v26, v17;
	v23 =	vsel vm8, v27, v23;
	v21 =	vsel vm0, v8, v9  }
0xf7: {  	v9 =	vsel vm1, v14, v10;
	vm0 =	vlt.s32 v11, $0x0;
	v8 =	vxor.u32 $0x7FFFFFFF, v11  }
0xf8: {  	v13 =	vld [tilespmem:s6+$0x0];
	v10 =	vxor.u32 $0x7FFFFFFF, v12;
	vm1 =	vlt.s32 v12, $0x0;
	vm5 =	veq.s32 v16, v6  }
0xf9: {  	v18 =	vsel vm0, v8, v11;
	v8 =	vshra.s32 v9, v7;
	v11 =	vsel vm1, v10, v12  }
0xfa: {  	v10 =	vshra.s32 v9, v5;
	v12 =	vxor.u32 $0x7FFFFFFF, v15;
	vm1 =	vlt.s32 v15, $0x0  }
0xfb: {  	v27 =	vshra.s32 v21, v7;
	v9 =	vshra.s32 v11, v7;
	v11 =	vshra.s32 v11, v5  }
0xfc: {  	v14 =	vshra.s32 v18, v5;
	v29 =	vsel vm1, v12, v15;
	v16 =	vshra.s32 v18, v7  }
0xfd: {  	vm0 =	vlt.s32 v13, $0x0;
	v25 =	vand.u32 $0xFFF, v9;
	v9 =	vxor.u32 $0x7FFFFFFF, v13  }
0xfe: {  	vm2 =	veq.s32 v11, v6;
	v18 =	vand.u32 $0xFFF, v16;
	v16 =	vxor.u32 $0x7FFFFFFF, v28  }
0xff: {  	v11 =	vsel vm0, v9, v13;
	v13 =	vshra.s32 v29, v5;
	v9 =	vshra.s32 v21, v5  }
0x100: {  	vm0 =	vlt.s32 v20, $0x0;
	v16 =	vsel vm7, v16, v28;
	v12 =	vshra.s32 v11, v5  }
0x101: {  	v15 =	vld [tilespmem:s6+$0xFFFFFFD0];
	vm1 =	veq.s32 v9, v6;
	v9 =	vsel vm0, v30, v20;
	v30 =	vxor.u32 $0x7FFFFFFF, v22  }
0x102: {  	v21 =	vshra.s32 v16, v5;
	v20 =	vshra.s32 v9, v5;
	v9 =	vshra.s32 v9, v7  }
0x103: {  	v28 =	vld [tilespmem:s6+$0xFFFFFF90];
	v17 =	vsel vm4, v30, v22;
	v22 =	vshra.s32 v26, v5;
	v26 =	vshra.s32 v26, v7  }
0x104: {  	vm0 =	veq.s32 v20, v6;
	vm4 =	veq.s32 v22, v6;
	v22 =	vand.u32 $0xFFF, v26;
	[tilespmem:v25+s18+$0x0] =	vst.idx.add.s32.msk vm2, v2  }
0x105: {  	v26 =	vand.u32 $0xFFF, v19;
	v19 =	vshra.s32 v23, v7;
	v25 =	vshra.s32 v23, v5;
	v23 =	vld [tilespmem:s6+$0xFFFFFFC0]  }
0x106: {  	v20 =	vxor.u32 $0x7FFFFFFF, v15;
	vm3 =	vlt.s32 v15, $0x0;
	v19 =	vand.u32 $0xFFF, v19  }
0x107: {  	s2 =	simm.s32 $0x0;
	s6 =	simm.s32 $0x180;
	vm2 =	veq.s32 v25, v6;
	v25 =	vsel vm6, v31, v24;
	v24 =	vshra.s32 v29, v7  }
.LBB2_14:
0x108: {  	v29 =	vld [tilespmem:s6+$0x70];
	s2 =	sadd.s32 $0x10, s2;
	v30 =	vxor.u32 $0x7FFFFFFF, v28;
	vm6 =	vlt.s32 v28, $0x0;
	v15 =	vsel vm3, v20, v15  }
0x109: {  	v31 =	vshra.s32 v25, v5;
	v27 =	vand.u32 $0xFFF, v27;
	v20 =	vld [tilespmem:s6+$0x20];
	p0 =	slt.u32 s2, $0x1850;
	v28 =	vsel vm6, v30, v28  }
0x10a: {  	vm3 =	veq.s32 v13, v6;
	v30 =	vshra.s32 v28, v5;
	v32 =	vxor.u32 $0x7FFFFFFF, v23;
	[tilespmem:v26+s18+$0x0] =	vst.idx.add.s32.msk vm5, v2  }
0x10b: {  	vm9 =	veq.s32 v14, v6;
	v13 =	vshra.s32 v28, v7;
	[tilespmem:v22+s18+$0x0] =	vst.idx.add.s32.msk vm4, v2;
	v22 =	vand.u32 $0xFFF, v24  }
0x10c: {  	vm7 =	veq.s32 v10, v6;
	vm6 =	veq.s32 v12, v6;
	v13 =	vand.u32 $0xFFF, v13;
	v14 =	vld [tilespmem:s6+$0x30]  }
0x10d: {  	v11 =	vshra.s32 v11, v7;
	v12 =	vshra.s32 v17, v5;
	vm4 =	vlt.s32 v23, $0x0;
	v10 =	vld [tilespmem:s6+$0x60]  }
0x10e: {  	v25 =	vshra.s32 v25, v7;
	v11 =	vand.u32 $0xFFF, v11;
	vm8 =	veq.s32 v30, v6;
	v24 =	vld [tilespmem:s6+$0xFFFFFFB0]  }
0x10f: {  	vm5 =	veq.s32 v21, v6;
	v23 =	vsel vm4, v32, v23;
	vm4 =	veq.s32 v12, v6;
	v26 =	vld [tilespmem:s6+$0x40]  }
0x110: {  	v17 =	vshra.s32 v17, v7;
	v12 =	vshra.s32 v23, v5;
	v23 =	vshra.s32 v23, v7;
	v21 =	vld [tilespmem:s6+$0xFFFFFFA0]  }
0x111: {  	vm10 =	veq.s32 v31, v6;
	v31 =	vand.u32 $0xFFF, v8;
	v30 =	vshra.s32 v15, v5;
	v28 =	vld [tilespmem:s6+$0x10]  }
0x112: {  	v23 =	vand.u32 $0xFFF, v23;
	v32 =	vld [tilespmem:s6+$0x50];
	v8 =	vxor.u32 $0x7FFFFFFF, v10;
	vm11 =	vlt.s32 v10, $0x0  }
0x113: {  	v8 =	vsel vm11, v8, v10;
	v10 =	vand.u32 $0xFFF, v25;
	vm11 =	veq.s32 v12, v6;
	[tilespmem:v18+s18+$0x0] =	vst.idx.add.s32.msk vm9, v2  }
0x114: {  	v17 =	vand.u32 $0xFFF, v17;
	v12 =	vld [tilespmem:s6+$0x0];
	v18 =	vshra.s32 v8, v5;
	v25 =	vshra.s32 v8, v7  }
0x115: {  	v16 =	vshra.s32 v16, v7;
	vm9 =	vlt.s32 v29, $0x0;
	v8 =	vxor.u32 $0x7FFFFFFF, v29;
	[tilespmem:v27+s18+$0x0] =	vst.idx.add.s32.msk vm1, v2  }
0x116: {  	v29 =	vsel vm9, v8, v29;
	v27 =	vxor.u32 $0x7FFFFFFF, v28;
	vm1 =	vlt.s32 v28, $0x0;
	[tilespmem:v13+s18+$0x0] =	vst.idx.add.s32.msk vm8, v2  }
0x117: {  	vm8 =	veq.s32 v30, v6;
	v13 =	vsel vm1, v27, v28;
	vm1 =	vlt.s32 v20, $0x0;
	[tilespmem:v19+s18+$0x0] =	vst.idx.add.s32.msk vm2, v2  }
0x118: {  	v9 =	vand.u32 $0xFFF, v9;
	v8 =	vxor.u32 $0x7FFFFFFF, v20;
	v19 =	vxor.u32 $0x7FFFFFFF, v14;
	[tilespmem:v10+s18+$0x0] =	vst.idx.add.s32.msk vm10, v2  }
0x119: {  	v27 =	vsel vm1, v8, v20;
	vm1 =	vlt.s32 v14, $0x0;
	v10 =	vshra.s32 v15, v7;
	[tilespmem:v23+s18+$0x0] =	vst.idx.add.s32.msk vm11, v2  }
0x11a: {  	v8 =	vshra.s32 v13, v7;
	v14 =	vsel vm1, v19, v14;
	v19 =	vand.u32 $0xFFF, v10;
	v30 =	vld [tilespmem:s6+$0xFFFFFF80]  }
0x11b: {  	vm1 =	vlt.s32 v12, $0x0;
	v10 =	vshra.s32 v13, v5;
	v13 =	vshra.s32 v14, v7;
	[tilespmem:v31+s18+$0x0] =	vst.idx.add.s32.msk vm7, v2  }
0x11c: {  	v16 =	vand.u32 $0xFFF, v16;
	v14 =	vshra.s32 v14, v5;
	v23 =	vand.u32 $0xFFF, v13;
	[tilespmem:v11+s18+$0x0] =	vst.idx.add.s32.msk vm6, v2  }
0x11d: {  	vm2 =	veq.s32 v14, v6;
	v13 =	vxor.u32 $0x7FFFFFFF, v26;
	v11 =	vxor.u32 $0x7FFFFFFF, v12;
	v31 =	vld [tilespmem:s6+$0xFFFFFFF0]  }
0x11e: {  	v14 =	vshra.s32 v27, v5;
	vm6 =	vlt.s32 v26, $0x0;
	[tilespmem:v22+s18+$0x0] =	vst.idx.add.s32.msk vm3, v2  }
0x11f: {  	v11 =	vsel vm1, v11, v12;
	v34 =	vsel vm6, v13, v26;
	v22 =	vxor.u32 $0x7FFFFFFF, v21;
	v33 =	vld [tilespmem:s6+$0xFFFFFFE0]  }
0x120: {  	v12 =	vshra.s32 v11, v5;
	v13 =	vshra.s32 v34, v5;
	vm6 =	vlt.s32 v30, $0x0;
	v15 =	vld [tilespmem:s6+$0xFFFFFFD0]  }
0x121: {  	v20 =	vshra.s32 v29, v5;
	v26 =	vxor.u32 $0x7FFFFFFF, v32;
	[tilespmem:v16+s18+$0x0] =	vst.idx.add.s32.msk vm5, v2  }
0x122: {  	vm1 =	veq.s32 v20, v6;
	vm3 =	vlt.s32 v24, $0x0;
	v16 =	vxor.u32 $0x7FFFFFFF, v24;
	[tilespmem:v17+s18+$0x0] =	vst.idx.add.s32.msk vm4, v2  }
0x123: {  	vm4 =	vlt.s32 v21, $0x0;
	v16 =	vsel vm3, v16, v24;
	v17 =	vxor.u32 $0x7FFFFFFF, v31;
	[tilespmem:v9+s18+$0x0] =	vst.idx.add.s32.msk vm0, v2  }
0x124: {  	v24 =	vxor.u32 $0x7FFFFFFF, v30;
	v9 =	vshra.s32 v16, v5;
	vm7 =	vlt.s32 v33, $0x0;
	[tilespmem:v19+s18+$0x0] =	vst.idx.add.s32.msk vm8, v2  }
0x125: {  	vm0 =	veq.s32 v9, v6;
	v9 =	vshra.s32 v16, v7;
	v20 =	vxor.u32 $0x7FFFFFFF, v15;
	[tilespmem:v23+s18+$0x0] =	vst.idx.add.s32.msk vm2, v2  }
0x126: {  	v16 =	vsel vm4, v22, v21;
	vm3 =	vlt.s32 v15, $0x0;
	vm2 =	vlt.s32 v32, $0x0  }
0x127: {  	vm5 =	veq.s32 v18, v6;
	v19 =	vshra.s32 v16, v5;
	v16 =	vshra.s32 v16, v7  }
0x128: {  	v18 =	vshra.s32 v27, v7;
	vm8 =	vlt.s32 v31, $0x0;
	vm4 =	veq.s32 v19, v6  }
.Ltmp8:
0x129: {  	v18 =	vand.u32 $0xFFF, v18;
	v17 =	vsel vm8, v17, v31;
	v22 =	vand.u32 $0xFFF, v16;
	v28 =	vld [tilespmem:s6+$0xFFFFFF90];
	(pc) =	sbr.rel @p0 .LBB2_14-.Ltmp8, $4  }
0x12a: {  	v27 =	vshra.s32 v29, v7;
	v16 =	vxor.u32 $0x7FFFFFFF, v33;
	v19 =	vsel vm2, v26, v32  }
0x12b: {  	v26 =	vand.u32 $0xFFF, v25;
	v16 =	vsel vm7, v16, v33;
	v29 =	vshra.s32 v19, v5;
	v23 =	vld [tilespmem:s6+$0xFFFFFFC0]  }
0x12c: {  	v19 =	vshra.s32 v19, v7;
	v21 =	vshra.s32 v16, v5;
	vm2 =	veq.s32 v29, v6  }
0x12d: {  	v25 =	vsel vm6, v24, v30;
	v24 =	vshra.s32 v34, v7;
	v19 =	vand.u32 $0xFFF, v19;
	s6 =	sadd.s32 $0x100, s6  }
0x12e: {  	_ =	sdelay $0x3  }
0x12f: {  	v29 =	vxor.u32 $0x7FFFFFFF, v28;
	vm6 =	vlt.s32 v28, $0x0;
	vm14 =	veq.s32 v14, v6  }
0x130: {  	v48 =	vand.u32 $0xFFF, v27;
	[tilespmem:v26+s18+$0x0] =	vst.idx.add.s32.msk vm5, v2;
	v51 =	vshra.s32 v25, v5;
	v53 =	vshra.s32 v25, v7  }
0x131: {  	v15 =	vsel vm3, v20, v15;
	vm10 =	veq.s32 v10, v6;
	vm11 =	veq.s32 v12, v6  }
0x132: {  	[tilespmem:v22+s18+$0x0] =	vst.idx.add.s32.msk vm4, v2;
	v11 =	vshra.s32 v11, v7;
	v8 =	vand.u32 $0xFFF, v8;
	v9 =	vand.u32 $0xFFF, v9  }
0x133: {  	vm12 =	veq.s32 v13, v6;
	v58 =	vshra.s32 v17, v5;
	vm13 =	veq.s32 v21, v6  }
0x134: {  	v60 =	vshra.s32 v16, v7;
	v61 =	vshra.s32 v17, v7;
	v28 =	vsel vm6, v29, v28  }
0x135: {  	[tilespmem:v19+s18+$0x0] =	vst.idx.add.s32.msk vm2, v2;
	vm15 =	veq.s32 v51, v6;
	v56 =	vand.u32 $0xFFF, v53;
	v11 =	vand.u32 $0xFFF, v11  }
0x136: {  	v49 =	vshra.s32 v28, v5;
	v50 =	vxor.u32 $0x7FFFFFFF, v23;
	vm7 =	vlt.s32 v23, $0x0;
	[tilespmem:v48+s18+$0x0] =	vst.idx.add.s32.msk vm1, v2  }
0x137: {  	v59 =	vand.u32 $0xFFF, v24;
	v28 =	vshra.s32 v28, v7;
	v23 =	vsel vm7, v50, v23;
	[tilespmem:v9+s18+$0x0] =	vst.idx.add.s32.msk vm0, v2  }
0x138: {  	v14 =	vand.u32 $0xFFF, v60;
	vm8 =	veq.s32 v49, v6;
	v54 =	vshra.s32 v23, v5;
	[tilespmem:v18+s18+$0x0] =	vst.idx.add.s32.msk vm14, v2  }
0x139: {  	v52 =	vand.u32 $0xFFF, v28;
	v55 =	vshra.s32 v23, v7;
	vm9 =	veq.s32 v54, v6;
	[tilespmem:v8+s18+$0x0] =	vst.idx.add.s32.msk vm10, v2  }
0x13a: {  	v62 =	vshra.s32 v15, v5;
	v57 =	vand.u32 $0xFFF, v55;
	vm14 =	veq.s32 v58, v6;
	[tilespmem:v11+s18+$0x0] =	vst.idx.add.s32.msk vm11, v2  }
0x13b: {  	v12 =	vand.u32 $0xFFF, v61;
	v63 =	vshra.s32 v15, v7;
	[tilespmem:v56+s18+$0x0] =	vst.idx.add.s32.msk vm15, v2;
	vm15 =	veq.s32 v62, v6  }
0x13c: {  	v8 =	vand.u32 $0xFFF, v63;
	[tilespmem:v59+s18+$0x0] =	vst.idx.add.s32.msk vm12, v2  }
0x13d: {  	[tilespmem:v14+s18+$0x0] =	vst.idx.add.s32.msk vm13, v2  }
0x13e: {  	[tilespmem:v52+s18+$0x0] =	vst.idx.add.s32.msk vm8, v2  }
0x13f: {  	[tilespmem:v57+s18+$0x0] =	vst.idx.add.s32.msk vm9, v2  }
0x140: {  	[tilespmem:v12+s18+$0x0] =	vst.idx.add.s32.msk vm14, v2  }
0x141: {  	s2 =	simm.s32 $0x0;
	[tilespmem:v8+s18+$0x0] =	vst.idx.add.s32.msk vm15, v2  }
.LBB2_16:
0x142: {  	s6 =	sshra.s32 s2, $0x2  }
0x143: {  	v8 =	vld [tilespmem:s6+$0x18600];
	_ =	sdelay $0x4  }
0x144: {  	v9 =	vxor.u32 $0x7FFFFFFF, v8;
	vm0 =	vlt.s32 v8, $0x0  }
0x145: {  	v8 =	vsel vm0, v9, v8  }
0x146: {  	v9 =	vshra.s32 v8, v5  }
0x147: {  	v8 =	vshra.s32 v8, v7;
	vm15 =	veq.s32 v9, v6  }
0x148: {  	p0 =	seq.s32 s2, $0x240;
	v8 =	vand.u32 $0xFFF, v8  }
.Ltmp9:
0x149: {  	_ = 	snop;
	(pc) =	sbr.rel @!p0 .LBB2_16-.Ltmp9, $2  }
0x14a: {  	_ =	sdelay $0x2  }
0x14b: {  	s2 =	sadd.s32 $0x40, s2;
	[tilespmem:v8+s18+$0x0] =	vst.idx.add.s32.msk vm15, v2  }
0x14c: {  	p0 =	slt.s32 s31, $0x40  }
.Ltmp10:
0x14d: {  	_ = 	snop;
	(pc) =	sbr.rel @!p0 .LBB2_20-.Ltmp10, $2  }
0x14e: {  	_ =	sdelay $0x2  }
0x14f: {  	s2 =	simm.s32 $0x1000;
	s6 =	simm.s32 $0x196F0  }
.LBB2_18:
0x150: {  	v5 =	vld [tilespmem:s6+$0x0];
	_ =	sdelay $0x4  }
0x151: {  	(xrf0) =	vadd.scan.msk.s32 $0xffff, v5;
	_ =	sdelay $0x5  }
0x152: {  	v5, _, _ =	vpop (xrf0)  }
0x153: {  	(v2sf) =	vpush v5, $0xF;
	_ =	sdelay $0xe  }
0x154: {  	s9 =	spop (v2sf)  }
0x155: {  	s7 =	smov.u32 s31;
	p0 =	seq.s32 s2, $0x10;
	s31 =	sadd.s32 s31, s9  }
0x156: {  	p1 =	slt.s32 @!p0 s31, $0x40  }
0x157: {  	p1 =	por p0, !p1  }
.Ltmp11:
0x158: {  	_ = 	snop;
	(pc) =	sbr.rel @!p1 .LBB2_18-.Ltmp11, $2  }
0x159: {  	_ =	sdelay $0x2  }
0x15a: {  	s2 =	sadd.s32 $0xFFFFFFF0, s2;
	s6 =	sadd.s32 $0xFFFFFFF0, s6  }
.Ltmp12:
0x15b: {  	_ = 	snop;
	(pc) =	sbr.rel .LBB2_19-.Ltmp12, $1  }
0x15c: {  	_ =	sdelay $0x3  }
.LBB2_21:
.Ltmp13:
0x15d: {  	(pc) =	sbr.rel @!p0 .LBB2_22-.Ltmp13, $1  }
0x15e: {  	_ =	sdelay $0x3  }
.LBB2_25:
0x15f: {  	s0 =	simm.s32 $0x40  }
0x160: {  	v6 =	vld [tilespmem:s0+$0x30]  }
0x161: {  	v7 =	vld [tilespmem:s0+$0x20]  }
0x162: {  	v8 =	vld [tilespmem:s0+$0x10]  }
0x163: {  	v9 =	vld [tilespmem:s0+$0x0]  }
0x164: {  	v10 =	vld [tilespmem:s0+$0xFFFFFFF0]  }
0x165: {  	v11 =	vld [tilespmem:s0+$0xFFFFFFE0]  }
0x166: {  	v5 =	vmov s29;
	v12 =	vimm.s32 $0x0;
	v13 =	vld [tilespmem:s0+$0xFFFFFFD0]  }
0x167: {  	v14 =	vld [tilespmem:s0+$0xFFFFFFC0];
	(v2sf) =	vpush v12, $0x0;
	v15 =	vxor.u32 $0x7FFFFFFF, v6;
	vm0 =	vlt.s32 v6, $0x0  }
0x168: {  	v16 =	vxor.u32 $0x7FFFFFFF, v8;
	v17 =	vxor.u32 $0x7FFFFFFF, v7;
	vm1 =	vlt.s32 v7, $0x0  }
0x169: {  	v18 =	vxor.u32 $0x7FFFFFFF, v9;
	vm2 =	vlt.s32 v9, $0x0;
	vm3 =	vlt.s32 v8, $0x0  }
0x16a: {  	v19 =	vxor.u32 $0x7FFFFFFF, v11;
	v20 =	vxor.u32 $0x7FFFFFFF, v10;
	vm4 =	vlt.s32 v10, $0x0  }
0x16b: {  	v21 =	vxor.u32 $0x7FFFFFFF, v13;
	vm5 =	vlt.s32 v13, $0x0;
	vm6 =	vlt.s32 v11, $0x0  }
0x16c: {  	v22 =	vxor.u32 $0x7FFFFFFF, v14;
	vm7 =	vlt.s32 v14, $0x0;
	v6 =	vsel vm0, v15, v6  }
0x16d: {  	v14 =	vsel vm7, v22, v14;
	v8 =	vsel vm3, v16, v8;
	v7 =	vsel vm1, v17, v7  }
0x16e: {  	v13 =	vsel vm5, v21, v13;
	v9 =	vsel vm2, v18, v9;
	vm8 =	vge.s32 v14, v5  }
0x16f: {  	v11 =	vsel vm6, v19, v11;
	vm0 =	vge.s32 v13, v5;
	v14 =	vmpcnt.ones.xlane vm8  }
0x170: {  	v10 =	vsel vm4, v20, v10;
	vm5 =	vge.s32 v11, v5;
	v13 =	vmpcnt.ones.xlane vm0  }
0x171: {  	vm4 =	vge.s32 v10, v5;
	v11 =	vmpcnt.ones.xlane vm5;
	v19 =	vadd.s32 v12, v14  }
0x172: {  	vm6 =	vge.s32 v9, v5;
	v12 =	vmpcnt.ones.xlane vm4;
	v10 =	vadd.s32 v19, v13  }
0x173: {  	s0 =	simm.s32 $0xC0;
	vm3 =	vge.s32 v8, v5;
	v9 =	vmpcnt.ones.xlane vm6;
	v11 =	vadd.s32 v10, v11  }
0x174: {  	v16 =	vld [tilespmem:s0+$0x10];
	vm2 =	vge.s32 v7, v5;
	v8 =	vadd.s32 v11, v12;
	v12 =	vmpcnt.ones.xlane vm3  }
0x175: {  	v17 =	vld [tilespmem:s0+$0x0];
	v7 =	vadd.s32 v8, v9;
	v9 =	vmpcnt.ones.xlane vm2  }
0x176: {  	s6 =	simm.s32 $0x0;
	v15 =	vld [tilespmem:s0+$0xFFFFFFF0];
	v12 =	vadd.s32 v7, v12;
	(v2sf) =	vpush v7, $0x0  }
0x177: {  	v20 =	vor.u32 s6, v0;
	v18 =	vld [tilespmem:s0+$0xFFFFFFE0];
	v7 =	vadd.s32 v12, v9;
	(v2sf) =	vpush v12, $0x0  }
0x178: {  	vm1 =	vge.s32 v6, v5;
	v6 =	vld [tilespmem:s0+$0x30];
	vm0 =	vmmov vm0;
	(v2sf) =	vpush v7, $0x0  }
0x179: {  	vm5 =	vmmov vm5;
	v14 =	vld [tilespmem:s0+$0x20];
	v13 =	vmpcnt.ones.xlane vm1;
	(v2sf) =	vpush v8, $0x0  }
0x17a: {  	v21 =	vxor.u32 $0x7FFFFFFF, v16;
	v23 =	vxor.u32 $0x7FFFFFFF, v17;
	(v2sf) =	vpush v11, $0x0  }
0x17b: {  	vm10 =	vlt.s32 v17, $0x0;
	vm12 =	vlt.s32 v16, $0x0;
	(v2sf) =	vpush v10, $0x0  }
0x17c: {  	s7 =	simm.s32 $0x40;
	v24 =	vxor.u32 $0x7FFFFFFF, v18;
	vm13 =	vlt.s32 v15, $0x0;
	(v2sf) =	vpush v19, $0x0;
	v19 =	vld [tilespmem:s0+$0xFFFFFFD0]  }
0x17d: {  	vm7 =	vlt.s32 v6, $0x0;
	v12 =	vadd.s32 v7, v13;
	v8 =	vor.u32 s7, v0;
	s7 =	spop (v2sf)  }
0x17e: {  	s2 =	simm.s32 $0x70;
	s25 =	simm.s32 $0x30;
	v25 =	vld [tilespmem:s0+$0xFFFFFFC0];
	v22 =	vxor.u32 $0x7FFFFFFF, v14;
	vm9 =	vlt.s32 v14, $0x0;
	p0 =	slt.s32 s7, $0xF0;
	(v2sf) =	vpush v12, $0x0  }
0x17f: {  	s30 =	simm.s32 $0x50;
	s31 =	simm.s32 $0x60;
	v9 =	vor.u32 s2, v0;
	v7 =	vor.u32 s25, v0;
	v13 =	vxor.u32 $0x7FFFFFFF, v6;
	s7 =	simm.s32 @!p0 $0xF0  }
0x180: {  	s29 =	simm.s32 $0x70;
	s6 =	simm.s32 $0x8;
	v11 =	vor.u32 s30, v0;
	v10 =	vor.u32 s31, v0;
	[tilespmem:s7+$0x19800] =	vst.msk vm8, v20;
	v20 =	vxor.u32 $0x7FFFFFFF, v15  }
.LBB2_26:
0x181: {  	v26 =	vxor.u32 $0x7FFFFFFF, v19;
	vm14 =	vlt.s32 v19, $0x0  }
0x182: {  	s6 =	sadd.s32 $0x8, s6;
	vm15 =	vlt.s32 v18, $0x0;
	vm8 =	vmmov vm4;
	vm11 =	vmmov vm6  }
0x183: {  	v6 =	vsel vm7, v13, v6;
	p0 =	slt.u32 s6, $0x1860;
	v27 =	vxor.u32 $0x7FFFFFFF, v25;
	vm4 =	vlt.s32 v25, $0x0  }
0x184: {  	v16 =	vsel vm12, v21, v16;
	v14 =	vsel vm9, v22, v14;
	v13 =	vsel vm4, v27, v25  }
0x185: {  	v17 =	vsel vm10, v23, v17;
	vm7 =	vge.s32 v13, v5;
	v13 =	vsel vm14, v26, v19  }
0x186: {  	s30 =	sadd.s32 $0xFFFFFFA0, s2;
	s29 =	sadd.s32 $0x80, s29;
	v19 =	vmpcnt.ones.xlane vm7;
	vm10 =	vge.s32 v13, v5;
	v13 =	vsel vm15, v24, v18;
	s7 =	spop (v2sf)  }
0x187: {  	s2 =	sadd.s32 $0xFFFFFFB0, s2;
	v18 =	vmpcnt.ones.xlane vm10;
	vm9 =	vge.s32 v13, v5;
	v13 =	vsel vm13, v20, v15;
	p1 =	slt.s32 s7, $0xF0;
	s9 =	spop (v2sf)  }
0x188: {  	v20 =	vadd.s32 v12, v19;
	v12 =	vmpcnt.ones.xlane vm9;
	vm4 =	vge.s32 v13, v5;
	s7 =	simm.s32 @!p1 $0xF0;
	p1 =	slt.s32 s9, $0xF0;
	s31 =	spop (v2sf)  }
0x189: {  	vm6 =	vge.s32 v17, v5;
	v13 =	vadd.s32 v20, v18;
	v15 =	vmpcnt.ones.xlane vm4;
	[tilespmem:s7+$0x19800] =	vst.msk vm3, v11;
	s9 =	simm.s32 @!p1 $0xF0;
	p1 =	slt.s32 s31, $0xF0;
	s7 =	spop (v2sf)  }
0x18a: {  	vm3 =	vge.s32 v16, v5;
	v11 =	vadd.s32 v13, v12;
	v12 =	vmpcnt.ones.xlane vm6;
	p2 =	slt.s32 s7, $0xF0;
	[tilespmem:s9+$0x19800] =	vst.msk vm2, v10;
	s31 =	simm.s32 @!p1 $0xF0;
	s9 =	spop (v2sf)  }
0x18b: {  	vm2 =	vge.s32 v14, v5;
	v10 =	vadd.s32 v11, v15;
	v15 =	vmpcnt.ones.xlane vm3;
	p1 =	slt.s32 s9, $0xF0;
	s7 =	simm.s32 @!p2 $0xF0;
	[tilespmem:s31+$0x19800] =	vst.msk vm1, v9;
	s31 =	spop (v2sf)  }
0x18c: {  	s0 =	sadd.s32 $0x80, s0;
	vm1 =	vge.s32 v6, v5;
	v9 =	vadd.s32 v10, v12;
	v12 =	vmpcnt.ones.xlane vm2;
	p2 =	slt.s32 s31, $0xF0;
	[tilespmem:s7+$0x19800] =	vst.msk vm11, v8;
	s7 =	spop (v2sf)  }
0x18d: {  	s9 =	simm.s32 @!p1 $0xF0;
	v6 =	vld [tilespmem:s0+$0x30];
	v8 =	vadd.s32 v9, v15;
	v15 =	vmpcnt.ones.xlane vm1;
	s10 =	spop (v2sf);
	(v2sf) =	vpush v9, $0x0;
	p3 =	slt.s32 s7, $0xF0  }
0x18e: {  	s31 =	simm.s32 @!p2 $0xF0;
	v14 =	vld [tilespmem:s0+$0x20];
	p1 =	slt.s32 s10, $0xF0;
	v9 =	vadd.s32 v8, v12;
	(v2sf) =	vpush v8, $0x0;
	s7 =	simm.s32 @!p3 $0xF0;
	v8 =	vor.u32 s2, v0;
	[tilespmem:s9+$0x19800] =	vst.msk vm8, v7  }
0x18f: {  	s2 =	sadd.s32 $0xFFFFFF90, s29;
	v7 =	vor.u32 s30, v0;
	v16 =	vld [tilespmem:s0+$0x10];
	s10 =	simm.s32 @!p1 $0xF0;
	v12 =	vadd.s32 v9, v15;
	(v2sf) =	vpush v9, $0x0;
	[tilespmem:s31+$0x19800] =	vst.msk vm5, v8  }
0x190: {  	v8 =	vor.u32 s2, v0;
	s2 =	smov.u32 s29;
	v17 =	vld [tilespmem:s0+$0x0];
	(v2sf) =	vpush v10, $0x0;
	[tilespmem:s7+$0x19800] =	vst.msk vm0, v7;
	vm0 =	vmmov vm10  }
0x191: {  	s9 =	sadd.s32 $0xFFFFFFD0, s29;
	v9 =	vor.u32 s29, v0;
	vm5 =	vmmov vm9;
	s7 =	sadd.s32 $0xFFFFFFC0, s29;
	v15 =	vld [tilespmem:s0+$0xFFFFFFF0];
	[tilespmem:s10+$0x19800] =	vst.msk vm7, v8;
	(v2sf) =	vpush v11, $0x0  }
0x192: {  	v7 =	vor.u32 s7, v0;
	v8 =	vor.u32 s9, v0;
	s7 =	sadd.s32 $0xFFFFFFE0, s29;
	s9 =	sadd.s32 $0xFFFFFFF0, s29;
	v18 =	vld [tilespmem:s0+$0xFFFFFFE0];
	(v2sf) =	vpush v13, $0x0  }
.Ltmp14:
0x193: {  	v11 =	vor.u32 s7, v0;
	v10 =	vor.u32 s9, v0;
	v19 =	vld [tilespmem:s0+$0xFFFFFFD0];
	(v2sf) =	vpush v20, $0x0;
	(pc) =	sbr.rel @p0 .LBB2_26-.Ltmp14, $4  }
0x194: {  	v13 =	vxor.u32 $0x7FFFFFFF, v6;
	vm7 =	vlt.s32 v6, $0x0;
	v25 =	vld [tilespmem:s0+$0xFFFFFFC0];
	(v2sf) =	vpush v12, $0x0  }
0x195: {  	v22 =	vxor.u32 $0x7FFFFFFF, v14;
	vm9 =	vlt.s32 v14, $0x0;
	v21 =	vxor.u32 $0x7FFFFFFF, v16  }
0x196: {  	vm12 =	vlt.s32 v16, $0x0;
	v23 =	vxor.u32 $0x7FFFFFFF, v17;
	vm10 =	vlt.s32 v17, $0x0  }
0x197: {  	v20 =	vxor.u32 $0x7FFFFFFF, v15;
	vm13 =	vlt.s32 v15, $0x0;
	v24 =	vxor.u32 $0x7FFFFFFF, v18  }
0x198: {  	v26 =	vxor.u32 $0x7FFFFFFF, v19;
	vm8 =	vlt.s32 v19, $0x0  }
0x199: {  	vm11 =	vlt.s32 v18, $0x0;
	v27 =	vxor.u32 $0x7FFFFFFF, v25;
	vm14 =	vlt.s32 v25, $0x0  }
0x19a: {  	v16 =	vsel vm12, v21, v16;
	v14 =	vsel vm9, v22, v14;
	v25 =	vsel vm14, v27, v25  }
0x19b: {  	v17 =	vsel vm10, v23, v17;
	v19 =	vsel vm8, v26, v19;
	vm12 =	vge.s32 v25, v5  }
0x19c: {  	v18 =	vsel vm11, v24, v18;
	vm8 =	vge.s32 v19, v5;
	v53 =	vmpcnt.ones.xlane vm12  }
0x19d: {  	v15 =	vsel vm13, v20, v15;
	vm9 =	vge.s32 v18, v5;
	v19 =	vmpcnt.ones.xlane vm8  }
0x19e: {  	vm10 =	vge.s32 v15, v5;
	v18 =	vmpcnt.ones.xlane vm9;
	v12 =	vadd.s32 v12, v53  }
0x19f: {  	vm11 =	vge.s32 v17, v5;
	v55 =	vmpcnt.ones.xlane vm10;
	v54 =	vadd.s32 v12, v19  }
0x1a0: {  	v57 =	vmpcnt.ones.xlane vm11;
	vm14 =	vge.s32 v16, v5;
	v56 =	vadd.s32 v54, v18  }
0x1a1: {  	vm13 =	vge.s32 v14, v5;
	v59 =	vmpcnt.ones.xlane vm14;
	v58 =	vadd.s32 v56, v55  }
0x1a2: {  	v61 =	vmpcnt.ones.xlane vm13;
	v60 =	vadd.s32 v58, v57  }
0x1a3: {  	v19 =	vadd.s32 v60, v59;
	(v2sf) =	vpush v60, $0x0  }
0x1a4: {  	s6 =	spop (v2sf);
	v62 =	vadd.s32 v19, v61;
	(v2sf) =	vpush v19, $0x0  }
0x1a5: {  	s7 =	spop (v2sf);
	(v2sf) =	vpush v62, $0x0  }
0x1a6: {  	s9 =	spop (v2sf);
	(v2sf) =	vpush v58, $0x0  }
0x1a7: {  	s10 =	spop (v2sf);
	(v2sf) =	vpush v56, $0x0  }
0x1a8: {  	s30 =	spop (v2sf);
	(v2sf) =	vpush v54, $0x0  }
0x1a9: {  	s31 =	spop (v2sf);
	(v2sf) =	vpush v12, $0x0  }
0x1aa: {  	s25 =	sadd.s32 $0xFFFFFFA0, s2;
	s0 =	sadd.s32 $0x80, s29;
	s29 =	sadd.s32 $0xFFFFFFB0, s2  }
0x1ab: {  	s2 =	sadd.s32 $0xFFFFFFC0, s0;
	p0 =	slt.s32 s6, $0xF0;
	p1 =	slt.s32 s7, $0xF0  }
0x1ac: {  	s6 =	simm.s32 @!p0 $0xF0;
	s7 =	simm.s32 @!p1 $0xF0;
	p0 =	slt.s32 s9, $0xF0  }
0x1ad: {  	[tilespmem:s6+$0x19800] =	vst.msk vm3, v11;
	p1 =	slt.s32 s10, $0xF0;
	s9 =	simm.s32 @!p0 $0xF0;
	p0 =	slt.s32 s30, $0xF0  }
0x1ae: {  	vm15 =	vmmov vm6;
	s10 =	simm.s32 @!p1 $0xF0;
	[tilespmem:s9+$0x19800] =	vst.msk vm1, v9;
	s9 =	sadd.s32 $0xFFFFFFD0, s0;
	s11 =	spop (v2sf)  }
0x1af: {  	p1 =	slt.s32 s31, $0xF0;
	s30 =	simm.s32 @!p0 $0xF0;
	[tilespmem:s10+$0x19800] =	vst.msk vm15, v8;
	s10 =	sadd.s32 $0xFFFFFF90, s0  }
0x1b0: {  	vm6 =	vmmov vm4;
	[tilespmem:s7+$0x19800] =	vst.msk vm2, v10;
	s6 =	spop (v2sf);
	p2 =	slt.s32 s11, $0xF0;
	s31 =	simm.s32 @!p1 $0xF0  }
0x1b1: {  	v8 =	vor.u32 s29, v0;
	[tilespmem:s30+$0x19800] =	vst.msk vm6, v7;
	v7 =	vor.u32 s25, v0;
	s25 =	sadd.s32 $0xFFFFFFE0, s0;
	s30 =	sadd.s32 $0xFFFFFFF0, s0;
	p0 =	slt.s32 s6, $0xF0  }
0x1b2: {  	s11 =	simm.s32 @!p2 $0xF0;
	[tilespmem:s31+$0x19800] =	vst.msk vm5, v8;
	s31 =	sadd.s32 $0xFFFFFFB0, s0;
	s29 =	spop (v2sf)  }
0x1b3: {  	v8 =	vor.u32 s10, v0;
	s6 =	simm.s32 @!p0 $0xF0;
	[tilespmem:s11+$0x19800] =	vst.msk vm0, v7;
	p0 =	slt.s32 s29, $0xF0;
	s11 =	spop (v2sf)  }
0x1b4: {  	v7 =	vor.u32 s25, v0;
	[tilespmem:s6+$0x19800] =	vst.msk vm12, v8;
	s29 =	simm.s32 @!p0 $0xF0;
	p0 =	slt.s32 s11, $0xF0;
	s6 =	spop (v2sf)  }
0x1b5: {  	v6 =	vsel vm7, v13, v6;
	v8 =	vor.u32 s30, v0;
	[tilespmem:s29+$0x19800] =	vst.msk vm14, v7;
	s11 =	simm.s32 @!p0 $0xF0;
	p0 =	slt.s32 s6, $0xF0;
	s10 =	spop (v2sf)  }
0x1b6: {  	vm7 =	vge.s32 v6, v5;
	v6 =	vor.u32 s0, v0;
	p1 =	slt.s32 s10, $0xF0;
	[tilespmem:s11+$0x19800] =	vst.msk vm13, v8;
	s6 =	simm.s32 @!p0 $0xF0;
	s11 =	spop (v2sf)  }
0x1b7: {  	vm12 =	vmmov vm11;
	v7 =	vor.u32 s9, v0;
	p0 =	slt.s32 s11, $0xF0;
	s10 =	simm.s32 @!p1 $0xF0;
	[tilespmem:s6+$0x19800] =	vst.msk vm7, v6;
	s6 =	spop (v2sf)  }
0x1b8: {  	vm13 =	vmmov vm10;
	v6 =	vor.u32 s2, v0;
	p1 =	slt.s32 s6, $0xF0;
	[tilespmem:s10+$0x19800] =	vst.msk vm12, v7;
	s2 =	spop (v2sf);
	s11 =	simm.s32 @!p0 $0xF0  }
0x1b9: {  	s0 =	sadd.s32 $0xFFFFFFA0, s0;
	vm14 =	vmmov vm9;
	v8 =	vor.u32 s31, v0;
	v7 =	vmpcnt.ones.xlane vm7;
	p0 =	slt.s32 s2, $0xF0;
	s6 =	simm.s32 @!p1 $0xF0;
	[tilespmem:s11+$0x19800] =	vst.msk vm13, v6  }
0x1ba: {  	vm15 =	vmmov vm8;
	v63 =	vor.u32 s0, v0;
	s2 =	simm.s32 @!p0 $0xF0;
	[tilespmem:s6+$0x19800] =	vst.msk vm14, v8  }
0x1bb: {  	s0 =	simm.s32 $0x18680;
	v6 =	vadd.s32 v62, v7;
	[tilespmem:s2+$0x19800] =	vst.msk vm15, v63;
	s2 =	simm.s32 $0x18680  }
.LBB2_28:
0x1bc: {  	(v2sf) =	vpush v6, $0x0;
	_ =	sdelay $0xb  }
0x1bd: {  	v7 =	vld [tilespmem:s0+$0x0];
	_ =	sdelay $0x2  }
0x1be: {  	s6 =	spop (v2sf)  }
0x1bf: {  	p0 =	slt.s32 s6, $0xF0  }
0x1c0: {  	v8 =	vxor.u32 $0x7FFFFFFF, v7;
	vm0 =	vlt.s32 v7, $0x0;
	s6 =	simm.s32 @!p0 $0xF0;
	p0 =	sne.s32 s2, $0x18690  }
.Ltmp15:
0x1c1: {  	v7 =	vsel vm0, v8, v7;
	(pc) =	sbr.rel @p0 .LBB2_28-.Ltmp15, $4  }
0x1c2: {  	vm0 =	vge.s32 v7, v5  }
0x1c3: {  	v7 =	vmpcnt.ones.xlane vm0  }
0x1c4: {  	v8 =	vor.u32 s2, v0  }
0x1c5: {  	s0 =	sadd.s32 $0x10, s0;
	v6 =	vadd.s32 v6, v7;
	s2 =	sadd.s32 $0x10, s2;
	[tilespmem:s6+$0x19800] =	vst.msk vm0, v8  }
0x1c6: {  	(v2sf) =	vpush v6, $0x0;
	_ =	sdelay $0xa  }
.Ltmp16:
0x1c7: {  	_ = 	snop;
	(pc) =	sbr.rel .LBB2_30-.Ltmp16, $2  }
0x1c8: {  	_ =	sdelay $0x2  }
0x1c9: {  	s0 =	spop (v2sf)  }
.LBB2_22:
0x1ca: {  	s0 =	simm.s32 $0x0  }
0x1cb: {  	v6 =	vld [tilespmem:s0+$0x0];
	_ =	sdelay $0x4  }
0x1cc: {  	v7 =	vxor.u32 $0x7FFFFFFF, v6;
	vm0 =	vlt.s32 v6, $0x0  }
0x1cd: {  	v5 =	vmov s29;
	v6 =	vsel vm0, v7, v6  }
0x1ce: {  	vm0 =	vgt.s32 v6, v5  }
0x1cf: {  	vm1 =	veq.s32 v6, v5;
	v7 =	vsel vm0, $0x1, v1  }
0x1d0: {  	v8 =	vsel vm1, $0x1, v1;
	(xrf0) =	vadd.scan.msk.s32 $0xffff, v7  }
0x1d1: {  	(xrf0) =	vadd.scan.msk.s32 $0xffff, v8;
	_ =	sdelay $0x1  }
0x1d2: {  	p0 =	por $0x1, $0x1;
	s2 =	simm.s32 $0x0  }
0x1d3: {  	s2 =	simm.s32 @!p0 $0x50  }
0x1d4: {  	s6 =	simm.s32 $0x0;
	p0 =	por $0x1, $0x1;
	[tilespmem:s2+$0x19700] =	vst.msk vm0, v6;
	v7 =	vor.u32 s0, v0  }
0x1d5: {  	s6 =	simm.s32 @!p0 $0x40;
	[tilespmem:s2+$0x19800] =	vst.msk vm0, v7;
	v8, _, _ =	vpop (xrf0)  }
0x1d6: {  	[tilespmem:s6+$0x19900] =	vst.msk vm1, v6;
	(v2sf) =	vpush v8, $0xF;
	v6, _, _ =	vpop (xrf0)  }
0x1d7: {  	(v2sf) =	vpush v6, $0xF;
	_ =	sdelay $0x1  }
0x1d8: {  	s2 =	simm.s32 $0x10;
	[tilespmem:s6+$0x19980] =	vst.msk vm1, v7  }
0x1d9: {  	s29 =	simm.s32 $0x20;
	s30 =	simm.s32 $0x10;
	s6 =	simm.s32 $0x0;
	v6 =	vld [tilespmem:s2+$0x0]  }
.LBB2_23:
0x1da: {  	p0 =	sne.s32 s29, $0x18690;
	_ =	sdelay $0x3  }
0x1db: {  	v7 =	vxor.u32 $0x7FFFFFFF, v6;
	vm0 =	vlt.s32 v6, $0x0  }
0x1dc: {  	v6 =	vsel vm0, v7, v6  }
0x1dd: {  	vm1 =	vgt.s32 v6, v5;
	vm0 =	veq.s32 v6, v5  }
0x1de: {  	v7 =	vsel vm1, $0x1, v1;
	v8 =	vsel vm0, $0x1, v1  }
0x1df: {  	(xrf0) =	vadd.scan.msk.s32 $0xffff, v7  }
0x1e0: {  	(xrf0) =	vadd.scan.msk.s32 $0xffff, v8  }
0x1e1: {  	s7 =	spop (v2sf)  }
0x1e2: {  	s0 =	sadd.s32 s0, s7;
	s7 =	spop (v2sf)  }
0x1e3: {  	p1 =	slt.s32 s0, $0x50;
	s6 =	sadd.s32 s6, s7;
	s7 =	smov.u32 s0  }
0x1e4: {  	s7 =	simm.s32 @!p1 $0x50  }
0x1e5: {  	v7 =	vor.u32 s2, v0;
	s2 =	smov.u32 s29;
	p1 =	slt.s32 s6, $0x40;
	s9 =	smov.u32 s6;
	[tilespmem:s7+$0x19700] =	vst.msk vm1, v6;
	v8, _, _ =	vpop (xrf0)  }
.Ltmp17:
0x1e6: {  	s9 =	simm.s32 @!p1 $0x40;
	[tilespmem:s7+$0x19800] =	vst.msk vm1, v7;
	(v2sf) =	vpush v8, $0xF;
	v8, _, _ =	vpop (xrf0);
	(pc) =	sbr.rel @p0 .LBB2_23-.Ltmp17, $4  }
0x1e7: {  	[tilespmem:s9+$0x19900] =	vst.msk vm0, v6;
	(v2sf) =	vpush v8, $0xF  }
0x1e8: {  	[tilespmem:s9+$0x19980] =	vst.msk vm0, v7  }
0x1e9: {  	s30 =	sadd.s32 $0x10, s30  }
0x1ea: {  	s29 =	sadd.s32 $0x10, s29;
	v6 =	vld [tilespmem:s30+$0x0]  }
0x1eb: {  	_ =	sdelay $0x3  }
0x1ec: {  	v7 =	vxor.u32 $0x7FFFFFFF, v6;
	vm0 =	vlt.s32 v6, $0x0  }
0x1ed: {  	v6 =	vsel vm0, v7, v6  }
0x1ee: {  	vm0 =	vgt.s32 v6, v5  }
0x1ef: {  	vm1 =	veq.s32 v6, v5;
	v5 =	vsel vm0, $0x1, v1  }
0x1f0: {  	v7 =	vsel vm1, $0x1, v1;
	(xrf0) =	vadd.scan.msk.s32 $0xffff, v5  }
0x1f1: {  	(xrf0) =	vadd.scan.msk.s32 $0xffff, v7;
	_ =	sdelay $0x4  }
0x1f2: {  	v5, _, _ =	vpop (xrf0)  }
0x1f3: {  	(v2sf) =	vpush v5, $0xF;
	v5, _, _ =	vpop (xrf0)  }
0x1f4: {  	(v2sf) =	vpush v5, $0xF;
	_ =	sdelay $0x6  }
0x1f5: {  	s7 =	spop (v2sf)  }
0x1f6: {  	s0 =	sadd.s32 s0, s7  }
0x1f7: {  	s29 =	spop (v2sf);
	p0 =	slt.s32 s0, $0x50;
	s9 =	smov.u32 s0  }
0x1f8: {  	s6 =	sadd.s32 s6, s29;
	s9 =	simm.s32 @!p0 $0x50  }
0x1f9: {  	p0 =	slt.s32 s6, $0x40;
	[tilespmem:s9+$0x19700] =	vst.msk vm0, v6;
	v5 =	vor.u32 s2, v0;
	s2 =	smov.u32 s6  }
0x1fa: {  	s2 =	simm.s32 @!p0 $0x40;
	[tilespmem:s9+$0x19800] =	vst.msk vm0, v5  }
0x1fb: {  	[tilespmem:s2+$0x19900] =	vst.msk vm1, v6  }
0x1fc: {  	[tilespmem:s2+$0x19980] =	vst.msk vm1, v5;
	s30 =	spop (v2sf)  }
0x1fd: {  	v5 =	vld [tilespmem:$0x19900];
	s31 =	spop (v2sf)  }
0x1fe: {  	v6 =	vld [tilespmem:$0x19980];
	s2 =	sadd.s32 s6, s31  }
0x1ff: {  	p0 =	slt.s32 s2, $0x40  }
0x200: {  	s2 =	simm.s32 @!p0 $0x40  }
0x201: {  	v7 =	vmov s2  }
0x202: {  	s0 =	sadd.s32 s0, s30;
	vm12 =	vgt.s32 v7, v0  }
0x203: {  	[tilespmem:s0+$0x19800] =	vst v6;
	v5 =	vnsel vm12, $0x80000000, v5  }
0x204: {  	[tilespmem:s0+$0x19700] =	vst v5  }
0x205: {  	v5 =	vld [tilespmem:$0x19910]  }
0x206: {  	v6 =	vld [tilespmem:$0x19990];
	_ =	sdelay $0x2  }
0x207: {  	v8 =	vor.u32 $0x10, v0  }
0x208: {  	vm13 =	vgt.s32 v7, v8  }
0x209: {  	v5 =	vnsel vm13, $0x80000000, v5;
	[tilespmem:s0+$0x19810] =	vst v6  }
0x20a: {  	[tilespmem:s0+$0x19710] =	vst v5  }
0x20b: {  	v5 =	vld [tilespmem:$0x19920]  }
0x20c: {  	v6 =	vld [tilespmem:$0x199A0];
	_ =	sdelay $0x2  }
0x20d: {  	v62 =	vor.u32 $0x20, v0  }
0x20e: {  	vm14 =	vgt.s32 v7, v62  }
0x20f: {  	v5 =	vnsel vm14, $0x80000000, v5;
	[tilespmem:s0+$0x19820] =	vst v6  }
0x210: {  	[tilespmem:s0+$0x19720] =	vst v5  }
0x211: {  	v5 =	vld [tilespmem:$0x19930]  }
0x212: {  	v6 =	vld [tilespmem:$0x199B0];
	_ =	sdelay $0x2  }
0x213: {  	v63 =	vor.u32 $0x30, v0  }
0x214: {  	vm15 =	vgt.s32 v7, v63  }
0x215: {  	v5 =	vnsel vm15, $0x80000000, v5;
	[tilespmem:s0+$0x19830] =	vst v6  }
0x216: {  	[tilespmem:s0+$0x19730] =	vst v5;
	s0 =	sadd.s32 s0, s2  }
.LBB2_30:
0x217: {  	s2 =	simm.s32 $0x19820  }
0x218: {  	s6 =	simm.s32 $0x30;
	v6 =	vld [tilespmem:s2+$0x10]  }
0x219: {  	v5 =	vmov s0;
	s7 =	simm.s32 $0x0;
	s11 =	simm.s32 $0x19860;
	v7 =	vld [tilespmem:s2+$0xFFFFFFE0];
	v8 =	vor.u32 s6, v0  }
0x21a: {  	s31 =	simm.s32 $0x40;
	v9 =	vor.u32 s7, v0;
	v11 =	vld [tilespmem:s11+$0xFFFFFFE0];
	vm1 =	vlt.s32 v8, v5  }
0x21b: {  	v13 =	vor.u32 s31, v0;
	vm2 =	vlt.s32 v9, v5  }
0x21c: {  	s9 =	simm.s32 $0x10;
	vm6 =	vlt.s32 v13, v5  }
0x21d: {  	s10 =	simm.s32 $0x20;
	v8 =	vld [tilespmem:s2+$0xFFFFFFF0];
	v9 =	vor.u32 s9, v0  }
0x21e: {  	v10 =	vld [tilespmem:s2+$0x0];
	vm0 =	vlt.s32 v9, v5;
	v9 =	vor.u32 s10, v0  }
0x21f: {  	vm0 =	vmmov vm0;
	vm3 =	vlt.s32 v9, v5;
	v9 =	vld [tilespmem:s11+$0x10]  }
0x220: {  	vm4 =	vmmov vm3;
	v6 =	vld.idx.msk [tilespmem:v6+s3+$0x0], vm1  }
0x221: {  	s25 =	simm.s32 $0x70;
	v7 =	vld.idx.msk [tilespmem:v7+s3+$0x0], vm2  }
0x222: {  	v12 =	vor.u32 s25, v0;
	s6 =	simm.s32 $0x50;
	s7 =	simm.s32 $0x60;
	v11 =	vld.idx.msk [tilespmem:v11+s3+$0x0], vm6  }
0x223: {  	s25 =	simm.s32 $0xB0;
	vm5 =	vlt.s32 v12, v5;
	v12 =	vor.u32 s6, v0;
	v15 =	vor.u32 s7, v0  }
0x224: {  	v18 =	vor.u32 s25, v0;
	vm7 =	vlt.s32 v12, v5;
	vm9 =	vlt.s32 v15, v5  }
0x225: {  	vm12 =	vmmov vm5;
	vm2 =	vmmov vm2;
	vm1 =	vmmov vm1;
	v8 =	vld.idx.msk [tilespmem:v8+s3+$0x0], vm0  }
0x226: {  	v10 =	vld.idx.msk [tilespmem:v10+s3+$0x0], vm4;
	vm4 =	vmmov vm4;
	v13 =	vxor.u32 $0x7FFFFFFF, v6;
	vm3 =	vlt.s32 v6, $0x0  }
0x227: {  	v12 =	vld [tilespmem:s11+$0xFFFFFFF0];
	v14 =	vxor.u32 $0x7FFFFFFF, v7;
	vm8 =	vlt.s32 v7, $0x0;
	v63 =	vxor.u32 $0x7FFFFFFF, v11  }
0x228: {  	v16 =	vld [tilespmem:s11+$0x0];
	vm15 =	vlt.s32 v11, $0x0;
	v6 =	vsel vm3, v13, v6;
	v7 =	vsel vm8, v14, v7  }
0x229: {  	s10 =	simm.s32 $0x198A0;
	v9 =	vld.idx.msk [tilespmem:v9+s3+$0x0], vm5;
	vm3 =	vmmov vm6;
	v6 =	vnsel vm1, $0x80000000, v6;
	vm1 =	vmmov vm7  }
0x22a: {  	s9 =	simm.s32 $0x80;
	v14 =	vld [tilespmem:s10+$0x10];
	v13 =	vnsel vm2, $0x80000000, v7;
	vm2 =	vmmov vm0;
	vm0 =	vmmov vm9  }
0x22b: {  	s11 =	simm.s32 $0x90;
	v17 =	vld [tilespmem:s10+$0xFFFFFFE0];
	v15 =	vxor.u32 $0x7FFFFFFF, v8;
	vm13 =	vlt.s32 v8, $0x0;
	v7 =	vor.u32 s9, v0  }
0x22c: {  	s31 =	simm.s32 $0xA0;
	vm7 =	vlt.s32 v18, v5;
	vm5 =	vlt.s32 v7, v5;
	v7 =	vor.u32 s11, v0  }
0x22d: {  	v11 =	vsel vm15, v63, v11;
	vm10 =	vlt.s32 v7, v5;
	v7 =	vor.u32 s31, v0  }
0x22e: {  	s2 =	simm.s32 $0x19720;
	v19 =	vxor.u32 $0x7FFFFFFF, v9;
	vm14 =	vlt.s32 v9, $0x0;
	vm6 =	vlt.s32 v7, v5;
	v7 =	vld [tilespmem:s10+$0xFFFFFFF0]  }
0x22f: {  	v62 =	vxor.u32 $0x7FFFFFFF, v10;
	vm11 =	vlt.s32 v10, $0x0;
	[tilespmem:s2+$0x10] =	vst v6;
	v9 =	vsel vm14, v19, v9;
	v6 =	vld.idx.msk [tilespmem:v12+s3+$0x0], vm1  }
0x230: {  	s0 =	simm.s32 $0x19760;
	v15 =	vsel vm13, v15, v8;
	v11 =	vnsel vm3, $0x80000000, v11;
	[tilespmem:s2+$0xFFFFFFE0] =	vst v13;
	v12 =	vnsel vm12, $0x80000000, v9;
	v9 =	vld.idx.msk [tilespmem:v16+s3+$0x0], vm0  }
0x231: {  	v8 =	vld [tilespmem:s10+$0x0];
	v10 =	vsel vm11, v62, v10;
	v13 =	vnsel vm2, $0x80000000, v15;
	[tilespmem:s0+$0xFFFFFFE0] =	vst v11;
	vm2 =	vmmov vm1  }
0x232: {  	vm3 =	vmmov vm5;
	vm1 =	vmmov vm10;
	[tilespmem:s0+$0x10] =	vst v12;
	v12 =	vnsel vm4, $0x80000000, v10;
	v10 =	vld.idx.msk [tilespmem:v14+s3+$0x0], vm7  }
0x233: {  	s29 =	simm.s32 $0xC0;
	s30 =	simm.s32 $0x198E0;
	s6 =	simm.s32 $0x8;
	[tilespmem:s2+$0xFFFFFFF0] =	vst v13;
	v11 =	vld.idx.msk [tilespmem:v17+s3+$0x0], vm5;
	vm5 =	vmmov vm7;
	vm4 =	vmmov vm0;
	vm0 =	vmmov vm6  }
.LBB2_31:
0x234: {  	v13 =	vor.u32 s29, v0;
	s7 =	sadd.s32 $0x10, s29;
	s9 =	sadd.s32 $0x30, s29;
	v14 =	vld [tilespmem:s30+$0x10];
	s6 =	sadd.s32 $0x4, s6;
	v15 =	vxor.u32 $0x7FFFFFFF, v6;
	vm10 =	vlt.s32 v6, $0x0;
	[tilespmem:s2+$0x0] =	vst v12  }
0x235: {  	v17 =	vmovc v9;
	s2 =	smov.u32 s0;
	vm6 =	vlt.s32 v13, v5;
	v13 =	vld [tilespmem:s30+$0xFFFFFFE0];
	v12 =	vor.u32 s7, v0;
	s7 =	sadd.s32 $0x20, s29;
	v16 =	vor.u32 s9, v0;
	p0 =	slt.u32 s6, $0xC  }
0x236: {  	vm9 =	vlt.s32 v12, v5;
	v18 =	vld [tilespmem:s30+$0xFFFFFFF0];
	v9 =	vor.u32 s7, v0;
	vm8 =	vlt.s32 v16, v5  }
0x237: {  	vm11 =	vlt.s32 v17, $0x0;
	v12 =	vxor.u32 $0x7FFFFFFF, v17;
	vm7 =	vlt.s32 v9, v5;
	v16 =	vld [tilespmem:s30+$0x0]  }
0x238: {  	v15 =	vsel vm10, v15, v6;
	v19 =	vxor.u32 $0x7FFFFFFF, v10;
	vm12 =	vlt.s32 v10, $0x0;
	v6 =	vld.idx.msk [tilespmem:v7+s3+$0x0], vm1  }
.Ltmp18:
0x239: {  	v21 =	vxor.u32 $0x7FFFFFFF, v11;
	vm10 =	vlt.s32 v11, $0x0;
	v9 =	vld.idx.msk [tilespmem:v8+s3+$0x0], vm0;
	v8 =	vsel vm12, v19, v10;
	(pc) =	sbr.rel @p0 .LBB2_31-.Ltmp18, $4  }
0x23a: {  	s0 =	sadd.s32 $0x40, s0;
	v19 =	vsel vm10, v21, v11;
	v10 =	vsel vm11, v12, v17;
	v20 =	vnsel vm5, $0x80000000, v8  }
0x23b: {  	v15 =	vnsel vm2, $0x80000000, v15;
	v11 =	vnsel vm3, $0x80000000, v19;
	v12 =	vnsel vm4, $0x80000000, v10;
	[tilespmem:s0+$0x10] =	vst v20;
	v7 =	vmovc v18  }
0x23c: {  	vm2 =	vmmov vm1;
	vm1 =	vmmov vm9;
	vm3 =	vmmov vm6;
	v10 =	vld.idx.msk [tilespmem:v14+s3+$0x0], vm8;
	[tilespmem:s0+$0xFFFFFFE0] =	vst v11;
	v8 =	vmovc v16  }
0x23d: {  	s29 =	sadd.s32 $0x40, s29;
	s30 =	sadd.s32 $0x40, s30;
	vm5 =	vmmov vm8;
	vm4 =	vmmov vm0;
	vm0 =	vmmov vm7;
	v11 =	vld.idx.msk [tilespmem:v13+s3+$0x0], vm6;
	[tilespmem:s2+$0xFFFFFFF0] =	vst v15  }
0x23e: {  	_ =	sdelay $0x4  }
0x23f: {  	v5 =	vxor.u32 $0x7FFFFFFF, v6;
	v7 =	vld.idx.msk [tilespmem:v7+s3+$0x0], vm1  }
0x240: {  	vm6 =	vlt.s32 v6, $0x0;
	v13 =	vxor.u32 $0x7FFFFFFF, v9;
	vm7 =	vlt.s32 v9, $0x0;
	v8 =	vld.idx.msk [tilespmem:v8+s3+$0x0], vm0  }
0x241: {  	s6 =	sadd.s32 $0x1, s28;
	vm1 =	vmmov vm1;
	v5 =	vsel vm6, v5, v6;
	v9 =	vsel vm7, v13, v9  }
0x242: {  	s7 =	smov.u32 s8;
	p0 =	slt.s32 s6, s8;
	v5 =	vnsel vm2, $0x80000000, v5;
	v6 =	vxor.u32 $0x7FFFFFFF, v10;
	vm14 =	vlt.s32 v10, $0x0  }
0x243: {  	[tilespmem:s2+$0x0] =	vst v12;
	s7 =	smov.u32 @p0 s6;
	v6 =	vsel vm14, v6, v10;
	v61 =	vxor.u32 $0x7FFFFFFF, v11;
	vm15 =	vlt.s32 v11, $0x0  }
0x244: {  	s25 =	sadd.s32 $0x40, s0;
	s6 =	sshrl.u32 s7, $0x2;
	[tilespmem:s0+$0xFFFFFFF0] =	vst v5;
	v10 =	vsel vm15, v61, v11;
	v6 =	vnsel vm5, $0x80000000, v6;
	v62 =	vxor.u32 $0x7FFFFFFF, v7  }
0x245: {  	s7 =	sshll.u32 s7, $0x7;
	s6 =	smul.u32 $0x61C00, s6;
	vm2 =	vlt.s32 v7, $0x0;
	v5 =	vxor.u32 $0x7FFFFFFF, v8;
	v10 =	vnsel vm3, $0x80000000, v10;
	[tilespmem:s25+$0x10] =	vst v6  }
0x246: {  	s7 =	sand.u32 $0x180, s7;
	v6 =	vnsel vm4, $0x80000000, v9;
	vm3 =	vlt.s32 v8, $0x0;
	v7 =	vsel vm2, v62, v7;
	[tilespmem:s25+$0xFFFFFFE0] =	vst v10  }
0x247: {  	vm0 =	vmmov vm0;
	s6 =	sor.u32 s7, s6;
	[tilespmem:s0+$0x0] =	vst v6;
	v5 =	vsel vm3, v5, v8;
	v6 =	vnsel vm1, $0x80000000, v7  }
0x248: {  	s0 =	sshrl.u32 s6, $0x3;
	v5 =	vnsel vm0, $0x80000000, v5;
	[tilespmem:s25+$0xFFFFFFF0] =	vst v6  }
0x249: {  	s2 =	simm.s32 $0x0;
	s7 =	simm.s32 $0x19700;
	s0 =	sadd.s32 s1, s0;
	[tilespmem:s25+$0x0] =	vst v5  }
0x24a: {  	[tilespmem:s2], [sflag:$0x1] =	stream.strided.gather [hbm4b:s0+s14], $0x18700, s15, s14, $0x38;
	[tilespmem:$0x19D00] =	vst v63  }
0x24b: {  	v5 =	vld [tilespmem:s7+$0x0];
	_ =	sdelay $0x4  }
0x24c: {  	v5 =	vxor.u32 $0x80000000, v5  }
0x24d: {  	(xrf0) =	vmax.scan.msk.u32 $0xffff, v5;
	_ =	sdelay $0x5  }
0x24e: {  	v5, _, _ =	vpop (xrf0)  }
0x24f: {  	s9 =	simm.s32 $0x19710;
	(v2sf) =	vpush v5, $0xF  }
0x250: {  	s10 =	simm.s32 $0x19720;
	v5 =	vld [tilespmem:s9+$0x0]  }
0x251: {  	v6 =	vld [tilespmem:s10+$0x0];
	_ =	sdelay $0x3  }
0x252: {  	v5 =	vxor.u32 $0x80000000, v5  }
0x253: {  	(xrf0) =	vmax.scan.msk.u32 $0xffff, v5;
	v5 =	vxor.u32 $0x80000000, v6  }
0x254: {  	(xrf0) =	vmax.scan.msk.u32 $0xffff, v5;
	_ =	sdelay $0x3  }
0x255: {  	s11 =	simm.s32 $0x19730  }
0x256: {  	v6 =	vld [tilespmem:s11+$0x0];
	v8, _, _ =	vpop (xrf0)  }
0x257: {  	(v2sf) =	vpush v8, $0xF;
	v8, _, _ =	vpop (xrf0)  }
0x258: {  	s9 =	spop (v2sf);
	(v2sf) =	vpush v8, $0xF;
	_ =	sdelay $0x1  }
0x259: {  	s25 =	simm.s32 $0x19740  }
0x25a: {  	v7 =	vld [tilespmem:s25+$0x0];
	v6 =	vxor.u32 $0x80000000, v6  }
0x25b: {  	(xrf0) =	vmax.scan.msk.u32 $0xffff, v6;
	_ =	sdelay $0x1  }
0x25c: {  	s28 =	simm.s32 $0x2;
	s29 =	simm.s32 $0x3  }
0x25d: {  	s30 =	simm.s32 $0x5;
	s31 =	simm.s32 $0x1;
	v63 =	vmov s2;
	s6 =	simm.s32 $0x4  }
0x25e: {  	vm0 =	veq.s32 v63, v0;
	s0 =	simm.s32 $0x1;
	s7 =	simm.s32 $0x19750;
	v5 =	vimm.s32 $0x80000000;
	v6 =	vxor.u32 $0x80000000, v7;
	s9 =	sxor.u32 $0x80000000, s9  }
.LBB2_33:
0x25f: {  	p0 =	sne.s32 s30, $0xF  }
0x260: {  	v7 =	vld [tilespmem:s7+$0x0];
	(xrf0) =	vmax.scan.msk.u32 $0xffff, v6;
	v6, _, _ =	vpop (xrf0);
	v5 =	vsel vm0, s9, v5;
	s10 =	smov.u32 s6;
	s6 =	smov.u32 s30;
	s30 =	sadd.s32 $0x1, s30  }
.Ltmp19:
0x261: {  	(v2sf) =	vpush v6, $0xF;
	(pc) =	sbr.rel @p0 .LBB2_33-.Ltmp19, $3  }
0x262: {  	_ =	sdelay $0x1  }
0x263: {  	v8 =	vmov s31;
	s31 =	smov.u32 s28;
	s28 =	smov.u32 s29;
	s9 =	spop (v2sf)  }
0x264: {  	s7 =	sadd.s32 $0x10, s7;
	vm0 =	veq.s32 v8, v0;
	s29 =	smov.u32 s10;
	v6 =	vxor.u32 $0x80000000, v7;
	s9 =	sxor.u32 $0x80000000, s9  }
0x265: {  	(xrf0) =	vmax.scan.msk.u32 $0xffff, v6;
	_ =	sdelay $0x4  }
0x266: {  	v6, _, _ =	vpop (xrf0)  }
0x267: {  	(v2sf) =	vpush v6, $0xF;
	v6, _, _ =	vpop (xrf0)  }
0x268: {  	(v2sf) =	vpush v6, $0xF;
	_ =	sdelay $0xb  }
0x269: {  	s7 =	spop (v2sf);
	v6 =	vmov s31  }
0x26a: {  	v5 =	vsel vm0, s9, v5;
	s7 =	sxor.u32 $0x80000000, s7;
	vm0 =	veq.s32 v6, v0;
	v6 =	vmov s28;
	s10 =	spop (v2sf)  }
0x26b: {  	v5 =	vsel vm0, s7, v5;
	vm0 =	veq.s32 v6, v0;
	v6 =	vmov s29;
	s11 =	sxor.u32 $0x80000000, s10;
	s25 =	spop (v2sf)  }
0x26c: {  	v5 =	vsel vm0, s11, v5;
	vm0 =	veq.s32 v6, v0;
	v6 =	vmov s6;
	s28 =	sxor.u32 $0x80000000, s25;
	s29 =	spop (v2sf)  }
0x26d: {  	v5 =	vsel vm0, s28, v5;
	vm0 =	veq.s32 v6, v0;
	s6 =	sxor.u32 $0x80000000, s29  }
0x26e: {  	v5 =	vsel vm0, s6, v5  }
0x26f: {  	v6 =	vxor.u32 $0x80000000, v5  }
0x270: {  	(xrf0) =	vmax.scan.msk.u32 $0xffff, v6;
	_ =	sdelay $0x5  }
0x271: {  	v6, _, _ =	vpop (xrf0)  }
0x272: {  	(v2sf) =	vpush v6, $0xF;
	_ =	sdelay $0xe  }
0x273: {  	s30 =	spop (v2sf)  }
0x274: {  	s6 =	sxor.u32 $0x80000000, s30  }
0x275: {  	vm0 =	veq.s32 v5, s6  }
0x276: {  	v6 =	vmctz.xlane vm0;
	_ =	sdelay $0x1  }
0x277: {  	v7 =	vshll.u32 v6, $0x4  }
0x278: {  	v8 =	vor.u32 v0, v7;
	_ =	sdelay $0x4  }
0x279: {  	v8 =	vld.idx.msk [tilespmem:v8+s19+$0x0], $0xffff;
	_ =	sdelay $0x4  }
0x27a: {  	vm0 =	veq.s32 v8, s6  }
0x27b: {  	v9 =	vmctz.xlane vm0;
	_ =	sdelay $0x1  }
0x27c: {  	v8 =	vxor.u32 $0x80000000, v8;
	vm0 =	veq.s32 v9, v0  }
0x27d: {  	v8 =	vsel vm0, $0x0, v8  }
0x27e: {  	(xrf0) =	vmax.scan.msk.u32 $0xffff, v8;
	_ =	sdelay $0x5  }
0x27f: {  	v8, _, _ =	vpop (xrf0)  }
0x280: {  	(v2sf) =	vpush v8, $0xF;
	_ =	sdelay $0x4  }
0x281: {  	v7 =	vadd.s32 v7, v9;
	_ =	sdelay $0x3  }
0x282: {  	v63 =	vmov s2  }
0x283: {  	v9 =	vld.idx.msk [tilespmem:v7+s20+$0x0], $0xffff;
	_ =	sdelay $0x2  }
0x284: {  	v10 =	vmov s6  }
0x285: {  	[tilespmem:v63+s21+$0x0] =	vst.idx.msk $0x1, v10  }
0x286: {  	[tilespmem:v63+s22+$0x0] =	vst.idx.msk $0x1, v9;
	s31 =	spop (v2sf)  }
0x287: {  	vm0 =	veq.s32 v6, v0;
	[tilespmem:v7+s19+$0x0] =	vst.idx.msk $0x1, v4;
	s2 =	sxor.u32 $0x80000000, s31  }
.LBB2_35:
0x288: {  	p0 =	sne.s32 s0, $0x3F;
	v5 =	vsel vm0, s2, v5;
	s2 =	smov.u32 s0;
	s0 =	sadd.s32 $0x1, s0  }
0x289: {  	v6 =	vxor.u32 $0x80000000, v5  }
0x28a: {  	(xrf0) =	vmax.scan.msk.u32 $0xffff, v6;
	_ =	sdelay $0x5  }
0x28b: {  	v6, _, _ =	vpop (xrf0)  }
0x28c: {  	(v2sf) =	vpush v6, $0xF;
	_ =	sdelay $0xe  }
0x28d: {  	s6 =	spop (v2sf)  }
0x28e: {  	s6 =	sxor.u32 $0x80000000, s6  }
0x28f: {  	vm0 =	veq.s32 v5, s6  }
0x290: {  	v6 =	vmctz.xlane vm0;
	_ =	sdelay $0x1  }
0x291: {  	v7 =	vshll.u32 v6, $0x4  }
0x292: {  	v8 =	vor.u32 v0, v7;
	_ =	sdelay $0x4  }
0x293: {  	v8 =	vld.idx.msk [tilespmem:v8+s19+$0x0], $0xffff;
	_ =	sdelay $0x5  }
0x294: {  	vm0 =	veq.s32 v8, s6  }
0x295: {  	v9 =	vmctz.xlane vm0;
	_ =	sdelay $0x1  }
0x296: {  	v8 =	vxor.u32 $0x80000000, v8;
	v7 =	vadd.s32 v7, v9;
	vm0 =	veq.s32 v9, v0  }
0x297: {  	v9 =	vmov s2;
	v8 =	vsel vm0, $0x0, v8  }
0x298: {  	(xrf0) =	vmax.scan.msk.u32 $0xffff, v8;
	_ =	sdelay $0x2  }
0x299: {  	v8 =	vmov s6;
	v10 =	vld.idx.msk [tilespmem:v7+s20+$0x0], $0xffff  }
0x29a: {  	[tilespmem:v9+s21+$0x0] =	vst.idx.msk $0x1, v8;
	_ =	sdelay $0x1  }
0x29b: {  	v8, _, _ =	vpop (xrf0)  }
0x29c: {  	(v2sf) =	vpush v8, $0xF;
	_ =	sdelay $0x1  }
0x29d: {  	[tilespmem:v9+s22+$0x0] =	vst.idx.msk $0x1, v10  }
0x29e: {  	[tilespmem:v7+s19+$0x0] =	vst.idx.msk $0x1, v4;
	_ =	sdelay $0x8  }
.Ltmp20:
0x29f: {  	(pc) =	sbr.rel @p0 .LBB2_35-.Ltmp20, $3  }
0x2a0: {  	_ =	sdelay $0x1  }
0x2a1: {  	s2 =	spop (v2sf)  }
0x2a2: {  	vm0 =	veq.s32 v6, v0;
	s2 =	sxor.u32 $0x80000000, s2  }
0x2a3: {  	v5 =	vld [tilespmem:$0x19A00]  }
0x2a4: {  	v6 =	vld [tilespmem:$0x19A10]  }
0x2a5: {  	v7 =	vld [tilespmem:$0x19A20]  }
0x2a6: {  	v8 =	vld [tilespmem:$0x19A30]  }
0x2a7: {  	v9 =	vld [tilespmem:$0x19B00]  }
0x2a8: {  	v10 =	vld [tilespmem:$0x19B10]  }
0x2a9: {  	v12 =	vld [tilespmem:$0x19B20];
	v11 =	vxor.u32 $0x7FFFFFFF, v5  }
0x2aa: {  	v13 =	vld [tilespmem:$0x19B30];
	vm0 =	vlt.s32 v5, $0x0;
	v61 =	vxor.u32 $0x7FFFFFFF, v6;
	vm11 =	vlt.s32 v6, $0x0  }
0x2ab: {  	v14 =	vxor.u32 $0x7FFFFFFF, v7;
	vm1 =	vlt.s32 v7, $0x0;
	v5 =	vsel vm0, v11, v5  }
0x2ac: {  	v62 =	vxor.u32 $0x7FFFFFFF, v8;
	v6 =	vsel vm11, v61, v6;
	v5 =	vadd.f32 v5, v9  }
0x2ad: {  	vm12 =	vlt.s32 v8, $0x0;
	v7 =	vsel vm1, v14, v7;
	v6 =	vadd.f32 v6, v10  }
0x2ae: {  	v8 =	vsel vm12, v62, v8;
	v7 =	vadd.f32 v7, v12;
	(xrf0) =	vmax.scan.msk.f32 $0xffff, v5  }
0x2af: {  	v5 =	vadd.f32 v8, v13;
	(xrf0) =	vmax.scan.msk.f32 $0xffff, v6  }
0x2b0: {  	(xrf0) =	vmax.scan.msk.f32 $0xffff, v7  }
0x2b1: {  	(xrf0) =	vmax.scan.msk.f32 $0xffff, v5;
	_ =	sdelay $0x2  }
0x2b2: {  	v5, _, _ =	vpop (xrf0)  }
0x2b3: {  	v6, _, _ =	vpop (xrf0);
	(v2sf) =	vpush v5, $0xF  }
0x2b4: {  	(v2sf) =	vpush v6, $0xF;
	v5, _, _ =	vpop (xrf0)  }
0x2b5: {  	(v2sf) =	vpush v5, $0xF;
	v5, _, _ =	vpop (xrf0)  }
0x2b6: {  	(v2sf) =	vpush v5, $0xF;
	_ =	sdelay $0xb  }
0x2b7: {  	s0 =	spop (v2sf)  }
0x2b8: {  	s2 =	spop (v2sf)  }
0x2b9: {  	s6 =	spop (v2sf)  }
0x2ba: {  	s7 =	spop (v2sf)  }
0x2bb: {  	s9 =	smax.f32 s0, s2;
	s7 =	smax.f32 s6, s7  }
0x2bc: {  	s7 =	smax.f32 s9, s7  }
0x2bd: {  	p0 =	seq.f32 s6, s7  }
0x2be: {  	p1 =	seq.f32 s2, s7;
	s2 =	simm.s32 $0x20  }
0x2bf: {  	p2 =	seq.f32 s0, s7;
	s2 =	simm.s32 @!p0 $0x30  }
0x2c0: {  	s2 =	simm.s32 @p1 $0x10  }
0x2c1: {  	s2 =	simm.s32 @p2 $0x0  }
0x2c2: {  	v5 =	vld [tilespmem:s2+$0x19A00];
	_ =	sdelay $0x1  }
0x2c3: {  	v6 =	vld [tilespmem:s2+$0x19B00];
	_ =	sdelay $0x2  }
0x2c4: {  	v7 =	vxor.u32 $0x7FFFFFFF, v5;
	vm13 =	vlt.s32 v5, $0x0  }
0x2c5: {  	v5 =	vsel vm13, v7, v5  }
0x2c6: {  	v6 =	vadd.f32 v5, v6;
	_ =	sdelay $0x1  }
0x2c7: {  	vm14 =	veq.f32 v6, s7  }
0x2c8: {  	v6 =	vmctz.xlane vm14;
	_ =	sdelay $0x1  }
0x2c9: {  	v6 =	vxor.u32 $0x80000000, v6  }
0x2ca: {  	(xrf0) =	vmax.scan.msk.u32 $0xffff, v6;
	_ =	sdelay $0x5  }
0x2cb: {  	v6, _, _ =	vpop (xrf0)  }
0x2cc: {  	(v2sf) =	vpush v6, $0xF;
	_ =	sdelay $0xe  }
0x2cd: {  	v6 =	vmov s26;
	s29 =	spop (v2sf)  }
0x2ce: {  	s0 =	sxor.u32 $0x80000000, s29  }
0x2cf: {  	v63 =	vld [tilespmem:s2+$0x19A80];
	v7 =	vmov s0  }
0x2d0: {  	vm15 =	veq.s32 v7, v0  }
0x2d1: {  	v5 =	vnsel vm15, $0x0, v5  }
0x2d2: {  	(xrf2) =	vadd.scan.msk.f32 $0xffff, v5;
	v5 =	vld.idx.msk [tilespmem:v6+s12+$0x0], $0xffff;
	_ =	sdelay $0x1  }
0x2d3: {  	v7 =	vnsel vm15, $0x0, v63  }
0x2d4: {  	(xrf0) =	vadd.scan.msk.s32 $0xffff, v7;
	_ =	sdelay $0x1  }
0x2d5: {  	(xrf0) =	vmax.scan.msk.f32 $0xffff, v5;
	_ =	sdelay $0x3  }
0x2d6: {  	v5, _, _ =	vpop (xrf0)  }
0x2d7: {  	v7, _, _ =	vpop (xrf2)  }
0x2d8: {  	(v2sf) =	vpush v7, $0xF;
	v7, _, _ =	vpop (xrf0)  }
0x2d9: {  	(v2sf) =	vpush v7, $0xF;
	_ =	sdelay $0xd  }
0x2da: {  	s26 =	sadd.s32 $0x1, s26;
	s30 =	spop (v2sf)  }
0x2db: {  	p0 =	sne.s32 s26, $0x8;
	s31 =	spop (v2sf)  }
.Ltmp21:
0x2dc: {  	s0 =	sadd.f32 s30, s31;
	(pc) =	sbr.rel @p0 .LBB2_2-.Ltmp21, $4  }
0x2dd: {  	_ = 	snop  }
0x2de: {  	v5 =	vbroadcast v5, $0xF;
	v7 =	vmov s0  }
0x2df: {  	[tilespmem:v6+s23+$0x0] =	vst.idx.msk $0x1, v7  }
0x2e0: {  	[tilespmem:v6+s24+$0x0] =	vst.idx.msk $0x1, v5  }
0x2e1: {  	_ =	swait.ge [sflag:s17], $0x18700  }
0x2e2: {  	[sflag:s17] =	ssyncset.done $0x0  }
0x2e3: {  	s0 =	rddreg [dreg:$0x7];
	[sflag:s17] =	ssyncadd.s32 $0xFFFE7900  }
0x2e4: {  	[hbm4b:s0+s3] =	stream.linear.scatter [tilespmem:s23], [sflag:$0x2], $0x8, $0x38;
	[tilespmem:$0x19D00] =	vst v63  }
0x2e5: {  	_ =	swait.ge [sflag:s13], $0x8  }
0x2e6: {  	[sflag:s13] =	ssyncset.done $0x0  }
0x2e7: {  	s30 =	rddreg [dreg:$0x8];
	[sflag:s13] =	ssyncadd.s32 $0xFFFFFFF8  }
0x2e8: {  	[hbm4b:s30+s3] =	stream.linear.scatter [tilespmem:s24], [sflag:$0x2], $0x8, $0x38;
	[tilespmem:$0x19D00] =	vst v63  }
0x2e9: {  	_ =	swait.ge [sflag:s13], $0x8  }
0x2ea: {  	s2 =	rddreg [dreg:$0xa]  }
0x2eb: {  	s31 =	rddreg [dreg:$0x9];
	s2 =	sadd.s32 $0x1, s2  }
0x2ec: {  	p0 =	sne.s32 s2, s31  }
.Ltmp22:
0x2ed: {  	_ = 	snop;
	(pc) =	sbr.rel @p0 .LBB2_1-.Ltmp22, $3  }
0x2ee: {  	_ =	sdelay $0x1  }
0x2ef: {  	[sflag:s13] =	ssyncset.done $0x0  }
0x2f0: {  	[sflag:s13] =	ssyncadd.s32 $0xFFFFFFF8  }
0x2f1: {  	_ =	sfence.sel $0x180000  }
0x2f2: {  	[bflag:$0x0] =	sbarrier.arrive $0xFFFF  }
0x2f3: {  	_ =	strace $0x90000047  }
0x2f4: {  	s0 =	stileid.u32;
	[bflag:$0x2] =	sbarrier.arrive $0xFFFF  }
0x2f5: {  	p0 =	sne.s32 s0, $0x0;
	s0 =	rddreg [dreg:$0x4]  }
0x2f6: {  	s0 =	sadd.s32 @!p0 $0x100000, s0  }
0x2f7: {  	[sflag:s0] =	ssyncadd.tile.s32 @!p0 $0x1;
	_ =	shalt  }
.Lfunc_end2:
_tile_overlayer_lowered:
.L_overlay_start_2:
0x2f8: {  	(tag) =	ssettag $0x2  }
0x2f9: {  	s0 =	rddreg [dreg:$0x0];
	s2 =	stileid.u32  }
0x2fa: {  	s1 =	rddreg [dreg:$0x1];
	p0 =	sne.s32 s2, $0x0  }
0x2fb: {  	s3 =	rddreg [dreg:$0x2];
	[bflag:$0x3] =	sbarrier.arrive $0xFFFF;
	s2 =	simm.s32 @!p0 $0x1C02  }
0x2fc: {  	[timem:s3], [sflag:s2] =	dma.local @!p0 [hbm:s0], s1  }
0x2fd: {  	s0 =	simm.s32 @!p0 $0x2  }
0x2fe: {  	_ =	swait.ge @!p0 [sflag:s0], s1  }
0x2ff: {  	s1 =	ssub.s32 @!p0 $0x0, s1;
	[sflag:s0] =	ssyncset.done @!p0 $0x0  }
0x300: {  	[sflag:s0] =	ssyncadd.s32 @!p0 s1  }
0x301: {  	[bflag:$0x3] =	sbarrier.arrive $0xFFFF  }
0x302: {  	_ =	shalt  }

</sc_bundles>
